<compile_context>
chip_gen: v7x
topology: tpu7x:2x2x1
jax: 0.10.2.dev20260603
libtpu: 0.0.44.dev20260713+nightly
codegen_flags: <defaults>
</compile_context>

<pallas_src>
import functools

import jax
import jax.numpy as jnp
from jax import lax
from jax.experimental import pallas as pl
from jax.experimental.pallas import tpu as pltpu
from jax.experimental.pallas import tpu_sc as plsc

N = 10000
E = 320000
D_IN = 128
D_H = 64

NC = 2
NS = 16
NW = NC * NS
EPW = E // NW
K = 80
CHUNKS = EPW // K
NBUF = 5
N_PAD = 10240
NPT = N_PAD // NS

_MESH = plsc.VectorSubcoreMesh(core_axis_name="c", subcore_axis_name="s")
_SC_PARAMS = pltpu.CompilerParams(use_tc_tiling_on_sc=False,
                                  needs_layout_passes=False)



def _sc_agg_body(with_deg, *refs):
    if with_deg:
        (y_hbm, src_hbm, dst_hbm, z64, z16, ones_hbm, agg_out, deg_out,
         idx_s, idx_d, ones_v, acc_sh, deg_sh) = refs[:13]
        rows = refs[13:13 + NBUF]
        gsem = refs[13 + NBUF:13 + 2 * NBUF]
        ssem = refs[13 + 2 * NBUF:13 + 3 * NBUF]
        dsem = refs[13 + 3 * NBUF:13 + 4 * NBUF]
    else:
        (y_hbm, src_hbm, dst_hbm, z64, agg_out,
         idx_s, idx_d, acc_sh) = refs[:8]
        rows = refs[8:8 + NBUF]
        gsem = refs[8 + NBUF:8 + 2 * NBUF]
        ssem = refs[8 + 2 * NBUF:8 + 3 * NBUF]

    c = lax.axis_index("c")
    s = lax.axis_index("s")
    nbase = s * NPT
    wid = c * NS + s

    pltpu.sync_copy(z64.at[pl.ds(nbase, NPT)], acc_sh.at[pl.ds(nbase, NPT)])
    pltpu.sync_copy(src_hbm.at[wid], idx_s)
    pltpu.sync_copy(dst_hbm.at[wid], idx_d)
    if with_deg:
        pltpu.sync_copy(z16.at[pl.ds(nbase, NPT)], deg_sh.at[pl.ds(nbase, NPT)])
        pltpu.sync_copy(ones_hbm, ones_v)
    plsc.subcore_barrier()

    def start_gather(b, row):
        pltpu.async_copy(y_hbm.at[idx_s.at[row]], rows[b], gsem[b])

    def wait_gather(b):
        pltpu.make_async_copy(y_hbm.at[idx_s.at[0]], rows[b], gsem[b]).wait()

    for b in range(NBUF):
        start_gather(b, b)

    def round_(j, carry):
        for b in range(NBUF):
            row = j * NBUF + b
            wait_gather(b)
            pltpu.async_copy(rows[b], acc_sh.at[idx_d.at[row]], ssem[b],
                             add=True)
            if with_deg:
                pltpu.async_copy(ones_v, deg_sh.at[idx_d.at[row]], dsem[b],
                                 add=True)
        for b in range(NBUF):
            pltpu.make_async_copy(rows[b], acc_sh.at[idx_d.at[0]],
                                  ssem[b]).wait()
            if with_deg:
                pltpu.make_async_copy(ones_v, deg_sh.at[idx_d.at[0]],
                                      dsem[b]).wait()
            nrow = jnp.minimum((j + 1) * NBUF + b, CHUNKS - 1)
            start_gather(b, nrow)
        return carry

    lax.fori_loop(0, CHUNKS // NBUF, round_, 0)
    for b in range(NBUF):
        wait_gather(b)
    plsc.subcore_barrier()

    pltpu.sync_copy(acc_sh.at[pl.ds(nbase, NPT)],
                    agg_out.at[c, pl.ds(nbase, NPT)])
    if with_deg:
        pltpu.sync_copy(deg_sh.at[pl.ds(nbase, NPT)],
                        deg_out.at[c, pl.ds(nbase, NPT)])


_sc_agg_deg = pl.kernel(
    functools.partial(_sc_agg_body, True),
    out_type=(jax.ShapeDtypeStruct((NC, N_PAD, D_H), jnp.float32),
              jax.ShapeDtypeStruct((NC, N_PAD, 16), jnp.float32)),
    mesh=_MESH,
    compiler_params=_SC_PARAMS,
    scratch_types=(
        [pltpu.VMEM((CHUNKS, K), jnp.int32),
         pltpu.VMEM((CHUNKS, K), jnp.int32),
         pltpu.VMEM((K, 16), jnp.float32),
         pltpu.VMEM_SHARED((N_PAD, D_H), jnp.float32),
         pltpu.VMEM_SHARED((N_PAD, 16), jnp.float32)]
        + [pltpu.VMEM((K, D_H), jnp.float32)] * NBUF
        + [pltpu.SemaphoreType.DMA] * (3 * NBUF)
    ),
)

_sc_agg = pl.kernel(
    functools.partial(_sc_agg_body, False),
    out_type=jax.ShapeDtypeStruct((NC, N_PAD, D_H), jnp.float32),
    mesh=_MESH,
    compiler_params=_SC_PARAMS,
    scratch_types=(
        [pltpu.VMEM((CHUNKS, K), jnp.int32),
         pltpu.VMEM((CHUNKS, K), jnp.int32),
         pltpu.VMEM_SHARED((N_PAD, D_H), jnp.float32)]
        + [pltpu.VMEM((K, D_H), jnp.float32)] * NBUF
        + [pltpu.SemaphoreType.DMA] * (2 * NBUF)
    ),
)



_BN = 1000


def _tc1_body(x_ref, wn_ref, ws_ref, b_ref, y1_ref, s1_ref):
    x = x_ref[...]
    y1_ref[...] = jnp.dot(x, wn_ref[...], preferred_element_type=jnp.float32)
    s1_ref[...] = (jnp.dot(x, ws_ref[...],
                           preferred_element_type=jnp.float32) + b_ref[...])


def _tc2_body(s1_ref, agg_ref, deg_ref, wn_ref, ws_ref, b_ref,
              y2_ref, s2_ref):
    agg = agg_ref[0] + agg_ref[1]
    deg = jnp.maximum(deg_ref[0][:, 0:1] + deg_ref[1][:, 0:1], 1.0)
    h = jnp.maximum(s1_ref[...] + agg / deg, 0.0)
    y2_ref[...] = jnp.dot(h, wn_ref[...], preferred_element_type=jnp.float32)
    s2_ref[...] = (jnp.dot(h, ws_ref[...],
                           preferred_element_type=jnp.float32) + b_ref[...])


def _tc3_body(s2_ref, agg_ref, deg_ref, out_ref):
    agg = agg_ref[0] + agg_ref[1]
    deg = jnp.maximum(deg_ref[0][:, 0:1] + deg_ref[1][:, 0:1], 1.0)
    out_ref[...] = s2_ref[...] + agg / deg


def _row_spec(d):
    return pl.BlockSpec((_BN, d), lambda i: (i, 0))


def _part_spec(d):
    return pl.BlockSpec((NC, _BN, d), lambda i: (0, i, 0))


def _full_spec(r, c):
    return pl.BlockSpec((r, c), lambda i: (0, 0))


_tc1 = pl.pallas_call(
    _tc1_body,
    grid=(N // _BN,),
    in_specs=[_row_spec(D_IN), _full_spec(D_IN, D_H), _full_spec(D_IN, D_H),
              pl.BlockSpec((D_H,), lambda i: (0,))],
    out_specs=[_row_spec(D_H), _row_spec(D_H)],
    out_shape=[jax.ShapeDtypeStruct((N, D_H), jnp.float32)] * 2,
)

_tc2 = pl.pallas_call(
    _tc2_body,
    grid=(N // _BN,),
    in_specs=[_row_spec(D_H), _part_spec(D_H), _part_spec(16),
              _full_spec(D_H, D_H), _full_spec(D_H, D_H),
              pl.BlockSpec((D_H,), lambda i: (0,))],
    out_specs=[_row_spec(D_H), _row_spec(D_H)],
    out_shape=[jax.ShapeDtypeStruct((N, D_H), jnp.float32)] * 2,
)

_tc3 = pl.pallas_call(
    _tc3_body,
    grid=(N // _BN,),
    in_specs=[_row_spec(D_H), _part_spec(D_H), _part_spec(16)],
    out_specs=_row_spec(D_H),
    out_shape=jax.ShapeDtypeStruct((N, D_H), jnp.float32),
)


def kernel(x, edge_index, W_self1, W_neigh1, b1, W_self2, W_neigh2, b2):
    src = edge_index[0].astype(jnp.int32).reshape(NW, CHUNKS, K)
    dst = edge_index[1].astype(jnp.int32).reshape(NW, CHUNKS, K)
    z64 = jnp.zeros((N_PAD, D_H), jnp.float32)
    z16 = jnp.zeros((N_PAD, 16), jnp.float32)
    ones = jnp.ones((K, 16), jnp.float32)

    y1, s1 = _tc1(x, W_neigh1, W_self1, b1)
    agg1, deg = _sc_agg_deg(y1, src, dst, z64, z16, ones)
    y2, s2 = _tc2(s1, agg1, deg, W_neigh2, W_self2, b2)
    agg2 = _sc_agg(y2, src, dst, z64)
    return _tc3(s2, agg2, deg)

# --- scband reference (transcript-rebuilt; emitter-appended) ---
"""Pipeline reference for scband-graph-sagemodel-43344809951941 (READ-ONLY COPY).

The authoritative reference and input builder live on the scoring server;
editing this copy changes nothing except your own understanding.
"""

import jax, jax.numpy as jnp
import numpy as np

N_NODES = 10000
N_EDGES = 320000
IN_FEATS = 128
HIDDEN = 64
OUT = 64


def setup_inputs(seed: int = 0) -> dict:
    key = jax.random.key(seed)
    ks = jax.random.split(key, 10)
    x = jax.random.normal(ks[0], (N_NODES, IN_FEATS), dtype=jnp.float32)
    edge_index = jax.random.randint(ks[1], (2, N_EDGES), 0, N_NODES, dtype=jnp.int64)
    # Layer 1 params (in=128 -> out=64), Glorot-ish init
    s1 = 1.0 / np.sqrt(IN_FEATS)
    W_self1 = jax.random.uniform(ks[2], (IN_FEATS, HIDDEN), dtype=jnp.float32, minval=-s1, maxval=s1)
    W_neigh1 = jax.random.uniform(ks[3], (IN_FEATS, HIDDEN), dtype=jnp.float32, minval=-s1, maxval=s1)
    b1 = jnp.zeros((HIDDEN,), dtype=jnp.float32)
    # Layer 2 params (in=64 -> out=64)
    s2 = 1.0 / np.sqrt(HIDDEN)
    W_self2 = jax.random.uniform(ks[4], (HIDDEN, OUT), dtype=jnp.float32, minval=-s2, maxval=s2)
    W_neigh2 = jax.random.uniform(ks[5], (HIDDEN, OUT), dtype=jnp.float32, minval=-s2, maxval=s2)
    b2 = jnp.zeros((OUT,), dtype=jnp.float32)
    return {
        "x": x,
        "edge_index": edge_index,
        "W_self1": W_self1,
        "W_neigh1": W_neigh1,
        "b1": b1,
        "W_self2": W_self2,
        "W_neigh2": W_neigh2,
        "b2": b2,
    }


def _sage_mean_layer(h, src, dst, W_self, W_neigh, b, n_nodes):
    # mean aggregation over incoming edges (DGL SAGEConv aggregator_type='mean')
    msg = jnp.take(h, src, axis=0)                         # gather [E, d]
    agg = jax.ops.segment_sum(msg, dst, num_segments=n_nodes)  # scatter-add [N, d]
    deg = jax.ops.segment_sum(jnp.ones((src.shape[0],), dtype=h.dtype), dst, num_segments=n_nodes)
    deg = jnp.maximum(deg, 1.0)
    h_neigh = agg / deg[:, None]
    return h @ W_self + h_neigh @ W_neigh + b


def reference(x, edge_index, W_self1, W_neigh1, b1, W_self2, W_neigh2, b2):
    src = edge_index[0]
    dst = edge_index[1]
    n = x.shape[0]
    h = _sage_mean_layer(x, src, dst, W_self1, W_neigh1, b1, n)
    h = jax.nn.relu(h)
    h = _sage_mean_layer(h, src, dst, W_self2, W_neigh2, b2, n)
    return h

if __name__ == "__main__":
    import jax
    _d = setup_inputs()
    print(jax.jit(kernel)(*tuple(_d.values())))

</pallas_src>

<mosaic_0001>
#map = affine_map<(d0, d1) -> (0, 0)>
#map1 = affine_map<(d0, d1) -> (0, 0, 0)>
module attributes {stable_mosaic.version = 14 : i64} {
  func.func @_sc_agg_body(%arg0: i32, %arg1: i32, %arg2: memref<10000x64xf32, #tpu.memory_space<hbm>>, %arg3: memref<32x125x80xi32, #tpu.memory_space<hbm>>, %arg4: memref<32x125x80xi32, #tpu.memory_space<hbm>>, %arg5: memref<10240x64xf32, #tpu.memory_space<hbm>>, %arg6: memref<2x10240x64xf32, #tpu.memory_space<hbm>>, %arg7: memref<125x80xi32, #tpu.memory_space<vmem>>, %arg8: memref<125x80xi32, #tpu.memory_space<vmem>>, %arg9: memref<10240x64xf32, #tpu.memory_space<vmem_shared>>, %arg10: memref<80x64xf32, #tpu.memory_space<vmem>>, %arg11: memref<80x64xf32, #tpu.memory_space<vmem>>, %arg12: memref<80x64xf32, #tpu.memory_space<vmem>>, %arg13: memref<80x64xf32, #tpu.memory_space<vmem>>, %arg14: memref<80x64xf32, #tpu.memory_space<vmem>>, %arg15: memref<!tpu.dma_semaphore, #tpu.memory_space<semaphore_mem>>, %arg16: memref<!tpu.dma_semaphore, #tpu.memory_space<semaphore_mem>>, %arg17: memref<!tpu.dma_semaphore, #tpu.memory_space<semaphore_mem>>, %arg18: memref<!tpu.dma_semaphore, #tpu.memory_space<semaphore_mem>>, %arg19: memref<!tpu.dma_semaphore, #tpu.memory_space<semaphore_mem>>, %arg20: memref<!tpu.dma_semaphore, #tpu.memory_space<semaphore_mem>>, %arg21: memref<!tpu.dma_semaphore, #tpu.memory_space<semaphore_mem>>, %arg22: memref<!tpu.dma_semaphore, #tpu.memory_space<semaphore_mem>>, %arg23: memref<!tpu.dma_semaphore, #tpu.memory_space<semaphore_mem>>, %arg24: memref<!tpu.dma_semaphore, #tpu.memory_space<semaphore_mem>>) attributes {dimension_semantics = [#tpu.dimension_semantics<core_parallel>, #tpu.dimension_semantics<subcore_parallel>], iteration_bounds = array<i64: 2, 16>, scalar_prefetch = 0 : i64, scratch_operands = 18 : i64, tpu.core_type = #tpu.core_type<sc_vector_subcore>, window_params = [{transform_indices = #map}, {transform_indices = #map1}, {transform_indices = #map1}, {transform_indices = #map}, {transform_indices = #map1}]} {
    %mul3A = arith.constant 640 : i32
    %mul3A_0 = arith.muli %arg1, %mul3A : i32
    %mul3A_1 = arith.constant 16 : i32
    %mul3A_2 = arith.muli %arg0, %mul3A_1 : i32
    %add3A = arith.addi %mul3A_2, %arg1 : i32
    "tpu.region"() ({
      %run_scoped3A = tpu.sem_alloc : memref<!tpu.dma_semaphore, #tpu.memory_space<semaphore_mem>>
      %dma_start3A_77 = arith.constant 0 : i32
      %dma_start3A_78 = tpu.memref_slice %arg9[%mul3A_0, %dma_start3A_77] : memref<10240x64xf32, #tpu.memory_space<vmem_shared>> -> memref<640x64xf32, #tpu.memory_space<vmem_shared>>
      %dma_start3A_79 = arith.constant 0 : i32
      %dma_start3A_80 = tpu.memref_slice %arg5[%mul3A_0, %dma_start3A_79] : memref<10240x64xf32, #tpu.memory_space<hbm>> -> memref<640x64xf32, #tpu.memory_space<hbm>>
      tpu.enqueue_dma source(%dma_start3A_80 : memref<640x64xf32, #tpu.memory_space<hbm>>) target(%dma_start3A_78 : memref<640x64xf32, #tpu.memory_space<vmem_shared>>) target_semaphore(%run_scoped3A : memref<!tpu.dma_semaphore, #tpu.memory_space<semaphore_mem>>)
      %dma_wait3A_81 = arith.constant 0 : i32
      %dma_wait3A_82 = tpu.memref_slice %arg9[%mul3A_0, %dma_wait3A_81] : memref<10240x64xf32, #tpu.memory_space<vmem_shared>> -> memref<640x64xf32, #tpu.memory_space<vmem_shared>>
      %dma_wait3A_83 = arith.constant 0 : i32
      %dma_wait3A_84 = tpu.memref_slice %arg5[%mul3A_0, %dma_wait3A_83] : memref<10240x64xf32, #tpu.memory_space<hbm>> -> memref<640x64xf32, #tpu.memory_space<hbm>>
      tpu.wait_dma2 semaphore(%run_scoped3A : memref<!tpu.dma_semaphore, #tpu.memory_space<semaphore_mem>>) src(%dma_wait3A_84 : memref<640x64xf32, #tpu.memory_space<hbm>>) dst(%dma_wait3A_82 : memref<640x64xf32, #tpu.memory_space<vmem_shared>>)
      tpu.yield
    }) : () -> ()
    "tpu.region"() ({
      %run_scoped3A = tpu.sem_alloc : memref<!tpu.dma_semaphore, #tpu.memory_space<semaphore_mem>>
      %dma_start3A_77 = arith.constant 0 : i32
      %dma_start3A_78 = arith.constant 0 : i32
      %dma_start3A_79 = tpu.memref_slice %arg3[%add3A, %dma_start3A_77, %dma_start3A_78] : memref<32x125x80xi32, #tpu.memory_space<hbm>> -> memref<1x125x80xi32, #tpu.memory_space<hbm>>
      %dma_start3A_80 = tpu.memref_squeeze %dma_start3A_79 : memref<1x125x80xi32, #tpu.memory_space<hbm>> -> memref<125x80xi32, #tpu.memory_space<hbm>>
      %dma_start3A_81 = arith.constant 0 : i32
      %dma_start3A_82 = arith.constant 0 : i32
      %dma_start3A_83 = tpu.memref_slice %arg3[%add3A, %dma_start3A_81, %dma_start3A_82] : memref<32x125x80xi32, #tpu.memory_space<hbm>> -> memref<1x125x80xi32, #tpu.memory_space<hbm>>
      %dma_start3A_84 = tpu.memref_squeeze %dma_start3A_83 : memref<1x125x80xi32, #tpu.memory_space<hbm>> -> memref<125x80xi32, #tpu.memory_space<hbm>>
      tpu.enqueue_dma source(%dma_start3A_84 : memref<125x80xi32, #tpu.memory_space<hbm>>) target(%arg7 : memref<125x80xi32, #tpu.memory_space<vmem>>) target_semaphore(%run_scoped3A : memref<!tpu.dma_semaphore, #tpu.memory_space<semaphore_mem>>)
      %dma_wait3A_85 = arith.constant 0 : i32
      %dma_wait3A_86 = arith.constant 0 : i32
      %dma_wait3A_87 = tpu.memref_slice %arg3[%add3A, %dma_wait3A_85, %dma_wait3A_86] : memref<32x125x80xi32, #tpu.memory_space<hbm>> -> memref<1x125x80xi32, #tpu.memory_space<hbm>>
      %dma_wait3A_88 = tpu.memref_squeeze %dma_wait3A_87 : memref<1x125x80xi32, #tpu.memory_space<hbm>> -> memref<125x80xi32, #tpu.memory_space<hbm>>
      %dma_wait3A_89 = arith.constant 0 : i32
      %dma_wait3A_90 = arith.constant 0 : i32
      %dma_wait3A_91 = tpu.memref_slice %arg3[%add3A, %dma_wait3A_89, %dma_wait3A_90] : memref<32x125x80xi32, #tpu.memory_space<hbm>> -> memref<1x125x80xi32, #tpu.memory_space<hbm>>
      %dma_wait3A_92 = tpu.memref_squeeze %dma_wait3A_91 : memref<1x125x80xi32, #tpu.memory_space<hbm>> -> memref<125x80xi32, #tpu.memory_space<hbm>>
      tpu.wait_dma2 semaphore(%run_scoped3A : memref<!tpu.dma_semaphore, #tpu.memory_space<semaphore_mem>>) src(%dma_wait3A_92 : memref<125x80xi32, #tpu.memory_space<hbm>>) dst(%arg7 : memref<125x80xi32, #tpu.memory_space<vmem>>)
      tpu.yield
    }) : () -> ()
    "tpu.region"() ({
      %run_scoped3A = tpu.sem_alloc : memref<!tpu.dma_semaphore, #tpu.memory_space<semaphore_mem>>
      %dma_start3A_77 = arith.constant 0 : i32
      %dma_start3A_78 = arith.constant 0 : i32
      %dma_start3A_79 = tpu.memref_slice %arg4[%add3A, %dma_start3A_77, %dma_start3A_78] : memref<32x125x80xi32, #tpu.memory_space<hbm>> -> memref<1x125x80xi32, #tpu.memory_space<hbm>>
      %dma_start3A_80 = tpu.memref_squeeze %dma_start3A_79 : memref<1x125x80xi32, #tpu.memory_space<hbm>> -> memref<125x80xi32, #tpu.memory_space<hbm>>
      %dma_start3A_81 = arith.constant 0 : i32
      %dma_start3A_82 = arith.constant 0 : i32
      %dma_start3A_83 = tpu.memref_slice %arg4[%add3A, %dma_start3A_81, %dma_start3A_82] : memref<32x125x80xi32, #tpu.memory_space<hbm>> -> memref<1x125x80xi32, #tpu.memory_space<hbm>>
      %dma_start3A_84 = tpu.memref_squeeze %dma_start3A_83 : memref<1x125x80xi32, #tpu.memory_space<hbm>> -> memref<125x80xi32, #tpu.memory_space<hbm>>
      tpu.enqueue_dma source(%dma_start3A_84 : memref<125x80xi32, #tpu.memory_space<hbm>>) target(%arg8 : memref<125x80xi32, #tpu.memory_space<vmem>>) target_semaphore(%run_scoped3A : memref<!tpu.dma_semaphore, #tpu.memory_space<semaphore_mem>>)
      %dma_wait3A_85 = arith.constant 0 : i32
      %dma_wait3A_86 = arith.constant 0 : i32
      %dma_wait3A_87 = tpu.memref_slice %arg4[%add3A, %dma_wait3A_85, %dma_wait3A_86] : memref<32x125x80xi32, #tpu.memory_space<hbm>> -> memref<1x125x80xi32, #tpu.memory_space<hbm>>
      %dma_wait3A_88 = tpu.memref_squeeze %dma_wait3A_87 : memref<1x125x80xi32, #tpu.memory_space<hbm>> -> memref<125x80xi32, #tpu.memory_space<hbm>>
      %dma_wait3A_89 = arith.constant 0 : i32
      %dma_wait3A_90 = arith.constant 0 : i32
      %dma_wait3A_91 = tpu.memref_slice %arg4[%add3A, %dma_wait3A_89, %dma_wait3A_90] : memref<32x125x80xi32, #tpu.memory_space<hbm>> -> memref<1x125x80xi32, #tpu.memory_space<hbm>>
      %dma_wait3A_92 = tpu.memref_squeeze %dma_wait3A_91 : memref<1x125x80xi32, #tpu.memory_space<hbm>> -> memref<125x80xi32, #tpu.memory_space<hbm>>
      tpu.wait_dma2 semaphore(%run_scoped3A : memref<!tpu.dma_semaphore, #tpu.memory_space<semaphore_mem>>) src(%dma_wait3A_92 : memref<125x80xi32, #tpu.memory_space<hbm>>) dst(%arg8 : memref<125x80xi32, #tpu.memory_space<vmem>>)
      tpu.yield
    }) : () -> ()
    %barrier3A = arith.constant 0 : index
    tpu.barrier barrier_id(%barrier3A)
    %dma_start3A = arith.constant 0 : i32
    %dma_start3A_3 = arith.constant 0 : i32
    %dma_start3A_4 = tpu.memref_slice %arg7[%dma_start3A, %dma_start3A_3] : memref<125x80xi32, #tpu.memory_space<vmem>> -> memref<1x80xi32, #tpu.memory_space<vmem>>
    %dma_start3A_5 = tpu.memref_squeeze %dma_start3A_4 : memref<1x80xi32, #tpu.memory_space<vmem>> -> memref<80xi32, #tpu.memory_space<vmem>>
    %dma_start3A_6 = arith.constant 0 : i32
    %dma_start3A_7 = arith.constant 0 : i32
    %dma_start3A_8 = tpu.memref_slice %arg2[%dma_start3A_6, %dma_start3A_7] : memref<10000x64xf32, #tpu.memory_space<hbm>> -> memref<10000x64xf32, #tpu.memory_space<hbm>>
    tpu.enqueue_indirect_dma source(%dma_start3A_8 : memref<10000x64xf32, #tpu.memory_space<hbm>>) target(%arg10 : memref<80x64xf32, #tpu.memory_space<vmem>>) offsets(%dma_start3A_5 : memref<80xi32, #tpu.memory_space<vmem>>) semaphore(%arg15 : memref<!tpu.dma_semaphore, #tpu.memory_space<semaphore_mem>>)
    %dma_start3A_9 = arith.constant 1 : i32
    %dma_start3A_10 = arith.constant 0 : i32
    %dma_start3A_11 = tpu.memref_slice %arg7[%dma_start3A_9, %dma_start3A_10] : memref<125x80xi32, #tpu.memory_space<vmem>> -> memref<1x80xi32, #tpu.memory_space<vmem>>
    %dma_start3A_12 = tpu.memref_squeeze %dma_start3A_11 : memref<1x80xi32, #tpu.memory_space<vmem>> -> memref<80xi32, #tpu.memory_space<vmem>>
    %dma_start3A_13 = arith.constant 0 : i32
    %dma_start3A_14 = arith.constant 0 : i32
    %dma_start3A_15 = tpu.memref_slice %arg2[%dma_start3A_13, %dma_start3A_14] : memref<10000x64xf32, #tpu.memory_space<hbm>> -> memref<10000x64xf32, #tpu.memory_space<hbm>>
    tpu.enqueue_indirect_dma source(%dma_start3A_15 : memref<10000x64xf32, #tpu.memory_space<hbm>>) target(%arg11 : memref<80x64xf32, #tpu.memory_space<vmem>>) offsets(%dma_start3A_12 : memref<80xi32, #tpu.memory_space<vmem>>) semaphore(%arg16 : memref<!tpu.dma_semaphore, #tpu.memory_space<semaphore_mem>>)
    %dma_start3A_16 = arith.constant 2 : i32
    %dma_start3A_17 = arith.constant 0 : i32
    %dma_start3A_18 = tpu.memref_slice %arg7[%dma_start3A_16, %dma_start3A_17] : memref<125x80xi32, #tpu.memory_space<vmem>> -> memref<1x80xi32, #tpu.memory_space<vmem>>
    %dma_start3A_19 = tpu.memref_squeeze %dma_start3A_18 : memref<1x80xi32, #tpu.memory_space<vmem>> -> memref<80xi32, #tpu.memory_space<vmem>>
    %dma_start3A_20 = arith.constant 0 : i32
    %dma_start3A_21 = arith.constant 0 : i32
    %dma_start3A_22 = tpu.memref_slice %arg2[%dma_start3A_20, %dma_start3A_21] : memref<10000x64xf32, #tpu.memory_space<hbm>> -> memref<10000x64xf32, #tpu.memory_space<hbm>>
    tpu.enqueue_indirect_dma source(%dma_start3A_22 : memref<10000x64xf32, #tpu.memory_space<hbm>>) target(%arg12 : memref<80x64xf32, #tpu.memory_space<vmem>>) offsets(%dma_start3A_19 : memref<80xi32, #tpu.memory_space<vmem>>) semaphore(%arg17 : memref<!tpu.dma_semaphore, #tpu.memory_space<semaphore_mem>>)
    %dma_start3A_23 = arith.constant 3 : i32
    %dma_start3A_24 = arith.constant 0 : i32
    %dma_start3A_25 = tpu.memref_slice %arg7[%dma_start3A_23, %dma_start3A_24] : memref<125x80xi32, #tpu.memory_space<vmem>> -> memref<1x80xi32, #tpu.memory_space<vmem>>
    %dma_start3A_26 = tpu.memref_squeeze %dma_start3A_25 : memref<1x80xi32, #tpu.memory_space<vmem>> -> memref<80xi32, #tpu.memory_space<vmem>>
    %dma_start3A_27 = arith.constant 0 : i32
    %dma_start3A_28 = arith.constant 0 : i32
    %dma_start3A_29 = tpu.memref_slice %arg2[%dma_start3A_27, %dma_start3A_28] : memref<10000x64xf32, #tpu.memory_space<hbm>> -> memref<10000x64xf32, #tpu.memory_space<hbm>>
    tpu.enqueue_indirect_dma source(%dma_start3A_29 : memref<10000x64xf32, #tpu.memory_space<hbm>>) target(%arg13 : memref<80x64xf32, #tpu.memory_space<vmem>>) offsets(%dma_start3A_26 : memref<80xi32, #tpu.memory_space<vmem>>) semaphore(%arg18 : memref<!tpu.dma_semaphore, #tpu.memory_space<semaphore_mem>>)
    %dma_start3A_30 = arith.constant 4 : i32
    %dma_start3A_31 = arith.constant 0 : i32
    %dma_start3A_32 = tpu.memref_slice %arg7[%dma_start3A_30, %dma_start3A_31] : memref<125x80xi32, #tpu.memory_space<vmem>> -> memref<1x80xi32, #tpu.memory_space<vmem>>
    %dma_start3A_33 = tpu.memref_squeeze %dma_start3A_32 : memref<1x80xi32, #tpu.memory_space<vmem>> -> memref<80xi32, #tpu.memory_space<vmem>>
    %dma_start3A_34 = arith.constant 0 : i32
    %dma_start3A_35 = arith.constant 0 : i32
    %dma_start3A_36 = tpu.memref_slice %arg2[%dma_start3A_34, %dma_start3A_35] : memref<10000x64xf32, #tpu.memory_space<hbm>> -> memref<10000x64xf32, #tpu.memory_space<hbm>>
    tpu.enqueue_indirect_dma source(%dma_start3A_36 : memref<10000x64xf32, #tpu.memory_space<hbm>>) target(%arg14 : memref<80x64xf32, #tpu.memory_space<vmem>>) offsets(%dma_start3A_33 : memref<80xi32, #tpu.memory_space<vmem>>) semaphore(%arg19 : memref<!tpu.dma_semaphore, #tpu.memory_space<semaphore_mem>>)
    %scan3A = arith.constant 0 : i32
    %scan3A_37 = arith.constant 0 : i32
    %scan3A_38 = arith.constant 25 : i32
    %scan3A_39 = arith.addi %scan3A_37, %scan3A_38 : i32
    %scan3A_40 = arith.constant 1 : i32
    scf.for %scan3A_77 = %scan3A_37 to %scan3A_39 step %scan3A_40  : i32 {
      %mul3A_78 = arith.constant 5 : i32
      %mul3A_79 = arith.muli %scan3A_77, %mul3A_78 : i32
      %add3A_80 = arith.constant 0 : i32
      %add3A_81 = arith.addi %mul3A_79, %add3A_80 : i32
      %dma_wait3A_82 = arith.constant 0 : i32
      %dma_wait3A_83 = arith.constant 0 : i32
      %dma_wait3A_84 = tpu.memref_slice %arg7[%dma_wait3A_82, %dma_wait3A_83] : memref<125x80xi32, #tpu.memory_space<vmem>> -> memref<1x80xi32, #tpu.memory_space<vmem>>
      %dma_wait3A_85 = tpu.memref_squeeze %dma_wait3A_84 : memref<1x80xi32, #tpu.memory_space<vmem>> -> memref<80xi32, #tpu.memory_space<vmem>>
      %dma_wait3A_86 = arith.constant 0 : i32
      %dma_wait3A_87 = arith.constant 0 : i32
      %dma_wait3A_88 = tpu.memref_slice %arg2[%dma_wait3A_86, %dma_wait3A_87] : memref<10000x64xf32, #tpu.memory_space<hbm>> -> memref<10000x64xf32, #tpu.memory_space<hbm>>
      tpu.wait_indirect_dma semaphore(%arg15 : memref<!tpu.dma_semaphore, #tpu.memory_space<semaphore_mem>>) src(%dma_wait3A_88 : memref<10000x64xf32, #tpu.memory_space<hbm>>) dst(%arg10 : memref<80x64xf32, #tpu.memory_space<vmem>>)
      %dma_start3A_89 = arith.constant 0 : i32
      %dma_start3A_90 = tpu.memref_slice %arg8[%add3A_81, %dma_start3A_89] : memref<125x80xi32, #tpu.memory_space<vmem>> -> memref<1x80xi32, #tpu.memory_space<vmem>>
      %dma_start3A_91 = tpu.memref_squeeze %dma_start3A_90 : memref<1x80xi32, #tpu.memory_space<vmem>> -> memref<80xi32, #tpu.memory_space<vmem>>
      %dma_start3A_92 = arith.constant 0 : i32
      %dma_start3A_93 = arith.constant 0 : i32
      %dma_start3A_94 = tpu.memref_slice %arg9[%dma_start3A_92, %dma_start3A_93] : memref<10240x64xf32, #tpu.memory_space<vmem_shared>> -> memref<10240x64xf32, #tpu.memory_space<vmem_shared>>
      tpu.enqueue_indirect_dma source(%arg10 : memref<80x64xf32, #tpu.memory_space<vmem>>) target(%dma_start3A_94 : memref<10240x64xf32, #tpu.memory_space<vmem_shared>>) offsets(%dma_start3A_91 : memref<80xi32, #tpu.memory_space<vmem>>) semaphore(%arg20 : memref<!tpu.dma_semaphore, #tpu.memory_space<semaphore_mem>>) {add = true}
      %mul3A_95 = arith.constant 5 : i32
      %mul3A_96 = arith.muli %scan3A_77, %mul3A_95 : i32
      %add3A_97 = arith.constant 1 : i32
      %add3A_98 = arith.addi %mul3A_96, %add3A_97 : i32
      %dma_wait3A_99 = arith.constant 0 : i32
      %dma_wait3A_100 = arith.constant 0 : i32
      %dma_wait3A_101 = tpu.memref_slice %arg7[%dma_wait3A_99, %dma_wait3A_100] : memref<125x80xi32, #tpu.memory_space<vmem>> -> memref<1x80xi32, #tpu.memory_space<vmem>>
      %dma_wait3A_102 = tpu.memref_squeeze %dma_wait3A_101 : memref<1x80xi32, #tpu.memory_space<vmem>> -> memref<80xi32, #tpu.memory_space<vmem>>
      %dma_wait3A_103 = arith.constant 0 : i32
      %dma_wait3A_104 = arith.constant 0 : i32
      %dma_wait3A_105 = tpu.memref_slice %arg2[%dma_wait3A_103, %dma_wait3A_104] : memref<10000x64xf32, #tpu.memory_space<hbm>> -> memref<10000x64xf32, #tpu.memory_space<hbm>>
      tpu.wait_indirect_dma semaphore(%arg16 : memref<!tpu.dma_semaphore, #tpu.memory_space<semaphore_mem>>) src(%dma_wait3A_105 : memref<10000x64xf32, #tpu.memory_space<hbm>>) dst(%arg11 : memref<80x64xf32, #tpu.memory_space<vmem>>)
      %dma_start3A_106 = arith.constant 0 : i32
      %dma_start3A_107 = tpu.memref_slice %arg8[%add3A_98, %dma_start3A_106] : memref<125x80xi32, #tpu.memory_space<vmem>> -> memref<1x80xi32, #tpu.memory_space<vmem>>
      %dma_start3A_108 = tpu.memref_squeeze %dma_start3A_107 : memref<1x80xi32, #tpu.memory_space<vmem>> -> memref<80xi32, #tpu.memory_space<vmem>>
      %dma_start3A_109 = arith.constant 0 : i32
      %dma_start3A_110 = arith.constant 0 : i32
      %dma_start3A_111 = tpu.memref_slice %arg9[%dma_start3A_109, %dma_start3A_110] : memref<10240x64xf32, #tpu.memory_space<vmem_shared>> -> memref<10240x64xf32, #tpu.memory_space<vmem_shared>>
      tpu.enqueue_indirect_dma source(%arg11 : memref<80x64xf32, #tpu.memory_space<vmem>>) target(%dma_start3A_111 : memref<10240x64xf32, #tpu.memory_space<vmem_shared>>) offsets(%dma_start3A_108 : memref<80xi32, #tpu.memory_space<vmem>>) semaphore(%arg21 : memref<!tpu.dma_semaphore, #tpu.memory_space<semaphore_mem>>) {add = true}
      %mul3A_112 = arith.constant 5 : i32
      %mul3A_113 = arith.muli %scan3A_77, %mul3A_112 : i32
      %add3A_114 = arith.constant 2 : i32
      %add3A_115 = arith.addi %mul3A_113, %add3A_114 : i32
      %dma_wait3A_116 = arith.constant 0 : i32
      %dma_wait3A_117 = arith.constant 0 : i32
      %dma_wait3A_118 = tpu.memref_slice %arg7[%dma_wait3A_116, %dma_wait3A_117] : memref<125x80xi32, #tpu.memory_space<vmem>> -> memref<1x80xi32, #tpu.memory_space<vmem>>
      %dma_wait3A_119 = tpu.memref_squeeze %dma_wait3A_118 : memref<1x80xi32, #tpu.memory_space<vmem>> -> memref<80xi32, #tpu.memory_space<vmem>>
      %dma_wait3A_120 = arith.constant 0 : i32
      %dma_wait3A_121 = arith.constant 0 : i32
      %dma_wait3A_122 = tpu.memref_slice %arg2[%dma_wait3A_120, %dma_wait3A_121] : memref<10000x64xf32, #tpu.memory_space<hbm>> -> memref<10000x64xf32, #tpu.memory_space<hbm>>
      tpu.wait_indirect_dma semaphore(%arg17 : memref<!tpu.dma_semaphore, #tpu.memory_space<semaphore_mem>>) src(%dma_wait3A_122 : memref<10000x64xf32, #tpu.memory_space<hbm>>) dst(%arg12 : memref<80x64xf32, #tpu.memory_space<vmem>>)
      %dma_start3A_123 = arith.constant 0 : i32
      %dma_start3A_124 = tpu.memref_slice %arg8[%add3A_115, %dma_start3A_123] : memref<125x80xi32, #tpu.memory_space<vmem>> -> memref<1x80xi32, #tpu.memory_space<vmem>>
      %dma_start3A_125 = tpu.memref_squeeze %dma_start3A_124 : memref<1x80xi32, #tpu.memory_space<vmem>> -> memref<80xi32, #tpu.memory_space<vmem>>
      %dma_start3A_126 = arith.constant 0 : i32
      %dma_start3A_127 = arith.constant 0 : i32
      %dma_start3A_128 = tpu.memref_slice %arg9[%dma_start3A_126, %dma_start3A_127] : memref<10240x64xf32, #tpu.memory_space<vmem_shared>> -> memref<10240x64xf32, #tpu.memory_space<vmem_shared>>
      tpu.enqueue_indirect_dma source(%arg12 : memref<80x64xf32, #tpu.memory_space<vmem>>) target(%dma_start3A_128 : memref<10240x64xf32, #tpu.memory_space<vmem_shared>>) offsets(%dma_start3A_125 : memref<80xi32, #tpu.memory_space<vmem>>) semaphore(%arg22 : memref<!tpu.dma_semaphore, #tpu.memory_space<semaphore_mem>>) {add = true}
      %mul3A_129 = arith.constant 5 : i32
      %mul3A_130 = arith.muli %scan3A_77, %mul3A_129 : i32
      %add3A_131 = arith.constant 3 : i32
      %add3A_132 = arith.addi %mul3A_130, %add3A_131 : i32
      %dma_wait3A_133 = arith.constant 0 : i32
      %dma_wait3A_134 = arith.constant 0 : i32
      %dma_wait3A_135 = tpu.memref_slice %arg7[%dma_wait3A_133, %dma_wait3A_134] : memref<125x80xi32, #tpu.memory_space<vmem>> -> memref<1x80xi32, #tpu.memory_space<vmem>>
      %dma_wait3A_136 = tpu.memref_squeeze %dma_wait3A_135 : memref<1x80xi32, #tpu.memory_space<vmem>> -> memref<80xi32, #tpu.memory_space<vmem>>
      %dma_wait3A_137 = arith.constant 0 : i32
      %dma_wait3A_138 = arith.constant 0 : i32
      %dma_wait3A_139 = tpu.memref_slice %arg2[%dma_wait3A_137, %dma_wait3A_138] : memref<10000x64xf32, #tpu.memory_space<hbm>> -> memref<10000x64xf32, #tpu.memory_space<hbm>>
      tpu.wait_indirect_dma semaphore(%arg18 : memref<!tpu.dma_semaphore, #tpu.memory_space<semaphore_mem>>) src(%dma_wait3A_139 : memref<10000x64xf32, #tpu.memory_space<hbm>>) dst(%arg13 : memref<80x64xf32, #tpu.memory_space<vmem>>)
      %dma_start3A_140 = arith.constant 0 : i32
      %dma_start3A_141 = tpu.memref_slice %arg8[%add3A_132, %dma_start3A_140] : memref<125x80xi32, #tpu.memory_space<vmem>> -> memref<1x80xi32, #tpu.memory_space<vmem>>
      %dma_start3A_142 = tpu.memref_squeeze %dma_start3A_141 : memref<1x80xi32, #tpu.memory_space<vmem>> -> memref<80xi32, #tpu.memory_space<vmem>>
      %dma_start3A_143 = arith.constant 0 : i32
      %dma_start3A_144 = arith.constant 0 : i32
      %dma_start3A_145 = tpu.memref_slice %arg9[%dma_start3A_143, %dma_start3A_144] : memref<10240x64xf32, #tpu.memory_space<vmem_shared>> -> memref<10240x64xf32, #tpu.memory_space<vmem_shared>>
      tpu.enqueue_indirect_dma source(%arg13 : memref<80x64xf32, #tpu.memory_space<vmem>>) target(%dma_start3A_145 : memref<10240x64xf32, #tpu.memory_space<vmem_shared>>) offsets(%dma_start3A_142 : memref<80xi32, #tpu.memory_space<vmem>>) semaphore(%arg23 : memref<!tpu.dma_semaphore, #tpu.memory_space<semaphore_mem>>) {add = true}
      %mul3A_146 = arith.constant 5 : i32
      %mul3A_147 = arith.muli %scan3A_77, %mul3A_146 : i32
      %add3A_148 = arith.constant 4 : i32
      %add3A_149 = arith.addi %mul3A_147, %add3A_148 : i32
      %dma_wait3A_150 = arith.constant 0 : i32
      %dma_wait3A_151 = arith.constant 0 : i32
      %dma_wait3A_152 = tpu.memref_slice %arg7[%dma_wait3A_150, %dma_wait3A_151] : memref<125x80xi32, #tpu.memory_space<vmem>> -> memref<1x80xi32, #tpu.memory_space<vmem>>
      %dma_wait3A_153 = tpu.memref_squeeze %dma_wait3A_152 : memref<1x80xi32, #tpu.memory_space<vmem>> -> memref<80xi32, #tpu.memory_space<vmem>>
      %dma_wait3A_154 = arith.constant 0 : i32
      %dma_wait3A_155 = arith.constant 0 : i32
      %dma_wait3A_156 = tpu.memref_slice %arg2[%dma_wait3A_154, %dma_wait3A_155] : memref<10000x64xf32, #tpu.memory_space<hbm>> -> memref<10000x64xf32, #tpu.memory_space<hbm>>
      tpu.wait_indirect_dma semaphore(%arg19 : memref<!tpu.dma_semaphore, #tpu.memory_space<semaphore_mem>>) src(%dma_wait3A_156 : memref<10000x64xf32, #tpu.memory_space<hbm>>) dst(%arg14 : memref<80x64xf32, #tpu.memory_space<vmem>>)
      %dma_start3A_157 = arith.constant 0 : i32
      %dma_start3A_158 = tpu.memref_slice %arg8[%add3A_149, %dma_start3A_157] : memref<125x80xi32, #tpu.memory_space<vmem>> -> memref<1x80xi32, #tpu.memory_space<vmem>>
      %dma_start3A_159 = tpu.memref_squeeze %dma_start3A_158 : memref<1x80xi32, #tpu.memory_space<vmem>> -> memref<80xi32, #tpu.memory_space<vmem>>
      %dma_start3A_160 = arith.constant 0 : i32
      %dma_start3A_161 = arith.constant 0 : i32
      %dma_start3A_162 = tpu.memref_slice %arg9[%dma_start3A_160, %dma_start3A_161] : memref<10240x64xf32, #tpu.memory_space<vmem_shared>> -> memref<10240x64xf32, #tpu.memory_space<vmem_shared>>
      tpu.enqueue_indirect_dma source(%arg14 : memref<80x64xf32, #tpu.memory_space<vmem>>) target(%dma_start3A_162 : memref<10240x64xf32, #tpu.memory_space<vmem_shared>>) offsets(%dma_start3A_159 : memref<80xi32, #tpu.memory_space<vmem>>) semaphore(%arg24 : memref<!tpu.dma_semaphore, #tpu.memory_space<semaphore_mem>>) {add = true}
      %dma_wait3A_163 = arith.constant 0 : i32
      %dma_wait3A_164 = arith.constant 0 : i32
      %dma_wait3A_165 = tpu.memref_slice %arg8[%dma_wait3A_163, %dma_wait3A_164] : memref<125x80xi32, #tpu.memory_space<vmem>> -> memref<1x80xi32, #tpu.memory_space<vmem>>
      %dma_wait3A_166 = tpu.memref_squeeze %dma_wait3A_165 : memref<1x80xi32, #tpu.memory_space<vmem>> -> memref<80xi32, #tpu.memory_space<vmem>>
      %dma_wait3A_167 = arith.constant 0 : i32
      %dma_wait3A_168 = arith.constant 0 : i32
      %dma_wait3A_169 = tpu.memref_slice %arg9[%dma_wait3A_167, %dma_wait3A_168] : memref<10240x64xf32, #tpu.memory_space<vmem_shared>> -> memref<10240x64xf32, #tpu.memory_space<vmem_shared>>
      tpu.wait_indirect_dma semaphore(%arg20 : memref<!tpu.dma_semaphore, #tpu.memory_space<semaphore_mem>>) src(%arg10 : memref<80x64xf32, #tpu.memory_space<vmem>>) dst(%dma_wait3A_169 : memref<10240x64xf32, #tpu.memory_space<vmem_shared>>)
      %add3A_170 = arith.constant 1 : i32
      %add3A_171 = arith.addi %scan3A_77, %add3A_170 : i32
      %mul3A_172 = arith.constant 5 : i32
      %mul3A_173 = arith.muli %add3A_171, %mul3A_172 : i32
      %add3A_174 = arith.constant 0 : i32
      %add3A_175 = arith.addi %mul3A_173, %add3A_174 : i32
      %min3A = arith.constant 124 : i32
      %min3A_176 = arith.minsi %add3A_175, %min3A : i32
      %dma_start3A_177 = arith.constant 0 : i32
      %dma_start3A_178 = tpu.memref_slice %arg7[%min3A_176, %dma_start3A_177] : memref<125x80xi32, #tpu.memory_space<vmem>> -> memref<1x80xi32, #tpu.memory_space<vmem>>
      %dma_start3A_179 = tpu.memref_squeeze %dma_start3A_178 : memref<1x80xi32, #tpu.memory_space<vmem>> -> memref<80xi32, #tpu.memory_space<vmem>>
      %dma_start3A_180 = arith.constant 0 : i32
      %dma_start3A_181 = arith.constant 0 : i32
      %dma_start3A_182 = tpu.memref_slice %arg2[%dma_start3A_180, %dma_start3A_181] : memref<10000x64xf32, #tpu.memory_space<hbm>> -> memref<10000x64xf32, #tpu.memory_space<hbm>>
      tpu.enqueue_indirect_dma source(%dma_start3A_182 : memref<10000x64xf32, #tpu.memory_space<hbm>>) target(%arg10 : memref<80x64xf32, #tpu.memory_space<vmem>>) offsets(%dma_start3A_179 : memref<80xi32, #tpu.memory_space<vmem>>) semaphore(%arg15 : memref<!tpu.dma_semaphore, #tpu.memory_space<semaphore_mem>>)
      %dma_wait3A_183 = arith.constant 0 : i32
      %dma_wait3A_184 = arith.constant 0 : i32
      %dma_wait3A_185 = tpu.memref_slice %arg8[%dma_wait3A_183, %dma_wait3A_184] : memref<125x80xi32, #tpu.memory_space<vmem>> -> memref<1x80xi32, #tpu.memory_space<vmem>>
      %dma_wait3A_186 = tpu.memref_squeeze %dma_wait3A_185 : memref<1x80xi32, #tpu.memory_space<vmem>> -> memref<80xi32, #tpu.memory_space<vmem>>
      %dma_wait3A_187 = arith.constant 0 : i32
      %dma_wait3A_188 = arith.constant 0 : i32
      %dma_wait3A_189 = tpu.memref_slice %arg9[%dma_wait3A_187, %dma_wait3A_188] : memref<10240x64xf32, #tpu.memory_space<vmem_shared>> -> memref<10240x64xf32, #tpu.memory_space<vmem_shared>>
      tpu.wait_indirect_dma semaphore(%arg21 : memref<!tpu.dma_semaphore, #tpu.memory_space<semaphore_mem>>) src(%arg11 : memref<80x64xf32, #tpu.memory_space<vmem>>) dst(%dma_wait3A_189 : memref<10240x64xf32, #tpu.memory_space<vmem_shared>>)
      %add3A_190 = arith.constant 1 : i32
      %add3A_191 = arith.addi %scan3A_77, %add3A_190 : i32
      %mul3A_192 = arith.constant 5 : i32
      %mul3A_193 = arith.muli %add3A_191, %mul3A_192 : i32
      %add3A_194 = arith.constant 1 : i32
      %add3A_195 = arith.addi %mul3A_193, %add3A_194 : i32
      %min3A_196 = arith.constant 124 : i32
      %min3A_197 = arith.minsi %add3A_195, %min3A_196 : i32
      %dma_start3A_198 = arith.constant 0 : i32
      %dma_start3A_199 = tpu.memref_slice %arg7[%min3A_197, %dma_start3A_198] : memref<125x80xi32, #tpu.memory_space<vmem>> -> memref<1x80xi32, #tpu.memory_space<vmem>>
      %dma_start3A_200 = tpu.memref_squeeze %dma_start3A_199 : memref<1x80xi32, #tpu.memory_space<vmem>> -> memref<80xi32, #tpu.memory_space<vmem>>
      %dma_start3A_201 = arith.constant 0 : i32
      %dma_start3A_202 = arith.constant 0 : i32
      %dma_start3A_203 = tpu.memref_slice %arg2[%dma_start3A_201, %dma_start3A_202] : memref<10000x64xf32, #tpu.memory_space<hbm>> -> memref<10000x64xf32, #tpu.memory_space<hbm>>
      tpu.enqueue_indirect_dma source(%dma_start3A_203 : memref<10000x64xf32, #tpu.memory_space<hbm>>) target(%arg11 : memref<80x64xf32, #tpu.memory_space<vmem>>) offsets(%dma_start3A_200 : memref<80xi32, #tpu.memory_space<vmem>>) semaphore(%arg16 : memref<!tpu.dma_semaphore, #tpu.memory_space<semaphore_mem>>)
      %dma_wait3A_204 = arith.constant 0 : i32
      %dma_wait3A_205 = arith.constant 0 : i32
      %dma_wait3A_206 = tpu.memref_slice %arg8[%dma_wait3A_204, %dma_wait3A_205] : memref<125x80xi32, #tpu.memory_space<vmem>> -> memref<1x80xi32, #tpu.memory_space<vmem>>
      %dma_wait3A_207 = tpu.memref_squeeze %dma_wait3A_206 : memref<1x80xi32, #tpu.memory_space<vmem>> -> memref<80xi32, #tpu.memory_space<vmem>>
      %dma_wait3A_208 = arith.constant 0 : i32
      %dma_wait3A_209 = arith.constant 0 : i32
      %dma_wait3A_210 = tpu.memref_slice %arg9[%dma_wait3A_208, %dma_wait3A_209] : memref<10240x64xf32, #tpu.memory_space<vmem_shared>> -> memref<10240x64xf32, #tpu.memory_space<vmem_shared>>
      tpu.wait_indirect_dma semaphore(%arg22 : memref<!tpu.dma_semaphore, #tpu.memory_space<semaphore_mem>>) src(%arg12 : memref<80x64xf32, #tpu.memory_space<vmem>>) dst(%dma_wait3A_210 : memref<10240x64xf32, #tpu.memory_space<vmem_shared>>)
      %add3A_211 = arith.constant 1 : i32
      %add3A_212 = arith.addi %scan3A_77, %add3A_211 : i32
      %mul3A_213 = arith.constant 5 : i32
      %mul3A_214 = arith.muli %add3A_212, %mul3A_213 : i32
      %add3A_215 = arith.constant 2 : i32
      %add3A_216 = arith.addi %mul3A_214, %add3A_215 : i32
      %min3A_217 = arith.constant 124 : i32
      %min3A_218 = arith.minsi %add3A_216, %min3A_217 : i32
      %dma_start3A_219 = arith.constant 0 : i32
      %dma_start3A_220 = tpu.memref_slice %arg7[%min3A_218, %dma_start3A_219] : memref<125x80xi32, #tpu.memory_space<vmem>> -> memref<1x80xi32, #tpu.memory_space<vmem>>
      %dma_start3A_221 = tpu.memref_squeeze %dma_start3A_220 : memref<1x80xi32, #tpu.memory_space<vmem>> -> memref<80xi32, #tpu.memory_space<vmem>>
      %dma_start3A_222 = arith.constant 0 : i32
      %dma_start3A_223 = arith.constant 0 : i32
      %dma_start3A_224 = tpu.memref_slice %arg2[%dma_start3A_222, %dma_start3A_223] : memref<10000x64xf32, #tpu.memory_space<hbm>> -> memref<10000x64xf32, #tpu.memory_space<hbm>>
      tpu.enqueue_indirect_dma source(%dma_start3A_224 : memref<10000x64xf32, #tpu.memory_space<hbm>>) target(%arg12 : memref<80x64xf32, #tpu.memory_space<vmem>>) offsets(%dma_start3A_221 : memref<80xi32, #tpu.memory_space<vmem>>) semaphore(%arg17 : memref<!tpu.dma_semaphore, #tpu.memory_space<semaphore_mem>>)
      %dma_wait3A_225 = arith.constant 0 : i32
      %dma_wait3A_226 = arith.constant 0 : i32
      %dma_wait3A_227 = tpu.memref_slice %arg8[%dma_wait3A_225, %dma_wait3A_226] : memref<125x80xi32, #tpu.memory_space<vmem>> -> memref<1x80xi32, #tpu.memory_space<vmem>>
      %dma_wait3A_228 = tpu.memref_squeeze %dma_wait3A_227 : memref<1x80xi32, #tpu.memory_space<vmem>> -> memref<80xi32, #tpu.memory_space<vmem>>
      %dma_wait3A_229 = arith.constant 0 : i32
      %dma_wait3A_230 = arith.constant 0 : i32
      %dma_wait3A_231 = tpu.memref_slice %arg9[%dma_wait3A_229, %dma_wait3A_230] : memref<10240x64xf32, #tpu.memory_space<vmem_shared>> -> memref<10240x64xf32, #tpu.memory_space<vmem_shared>>
      tpu.wait_indirect_dma semaphore(%arg23 : memref<!tpu.dma_semaphore, #tpu.memory_space<semaphore_mem>>) src(%arg13 : memref<80x64xf32, #tpu.memory_space<vmem>>) dst(%dma_wait3A_231 : memref<10240x64xf32, #tpu.memory_space<vmem_shared>>)
      %add3A_232 = arith.constant 1 : i32
      %add3A_233 = arith.addi %scan3A_77, %add3A_232 : i32
      %mul3A_234 = arith.constant 5 : i32
      %mul3A_235 = arith.muli %add3A_233, %mul3A_234 : i32
      %add3A_236 = arith.constant 3 : i32
      %add3A_237 = arith.addi %mul3A_235, %add3A_236 : i32
      %min3A_238 = arith.constant 124 : i32
      %min3A_239 = arith.minsi %add3A_237, %min3A_238 : i32
      %dma_start3A_240 = arith.constant 0 : i32
      %dma_start3A_241 = tpu.memref_slice %arg7[%min3A_239, %dma_start3A_240] : memref<125x80xi32, #tpu.memory_space<vmem>> -> memref<1x80xi32, #tpu.memory_space<vmem>>
      %dma_start3A_242 = tpu.memref_squeeze %dma_start3A_241 : memref<1x80xi32, #tpu.memory_space<vmem>> -> memref<80xi32, #tpu.memory_space<vmem>>
      %dma_start3A_243 = arith.constant 0 : i32
      %dma_start3A_244 = arith.constant 0 : i32
      %dma_start3A_245 = tpu.memref_slice %arg2[%dma_start3A_243, %dma_start3A_244] : memref<10000x64xf32, #tpu.memory_space<hbm>> -> memref<10000x64xf32, #tpu.memory_space<hbm>>
      tpu.enqueue_indirect_dma source(%dma_start3A_245 : memref<10000x64xf32, #tpu.memory_space<hbm>>) target(%arg13 : memref<80x64xf32, #tpu.memory_space<vmem>>) offsets(%dma_start3A_242 : memref<80xi32, #tpu.memory_space<vmem>>) semaphore(%arg18 : memref<!tpu.dma_semaphore, #tpu.memory_space<semaphore_mem>>)
      %dma_wait3A_246 = arith.constant 0 : i32
      %dma_wait3A_247 = arith.constant 0 : i32
      %dma_wait3A_248 = tpu.memref_slice %arg8[%dma_wait3A_246, %dma_wait3A_247] : memref<125x80xi32, #tpu.memory_space<vmem>> -> memref<1x80xi32, #tpu.memory_space<vmem>>
      %dma_wait3A_249 = tpu.memref_squeeze %dma_wait3A_248 : memref<1x80xi32, #tpu.memory_space<vmem>> -> memref<80xi32, #tpu.memory_space<vmem>>
      %dma_wait3A_250 = arith.constant 0 : i32
      %dma_wait3A_251 = arith.constant 0 : i32
      %dma_wait3A_252 = tpu.memref_slice %arg9[%dma_wait3A_250, %dma_wait3A_251] : memref<10240x64xf32, #tpu.memory_space<vmem_shared>> -> memref<10240x64xf32, #tpu.memory_space<vmem_shared>>
      tpu.wait_indirect_dma semaphore(%arg24 : memref<!tpu.dma_semaphore, #tpu.memory_space<semaphore_mem>>) src(%arg14 : memref<80x64xf32, #tpu.memory_space<vmem>>) dst(%dma_wait3A_252 : memref<10240x64xf32, #tpu.memory_space<vmem_shared>>)
      %add3A_253 = arith.constant 1 : i32
      %add3A_254 = arith.addi %scan3A_77, %add3A_253 : i32
      %mul3A_255 = arith.constant 5 : i32
      %mul3A_256 = arith.muli %add3A_254, %mul3A_255 : i32
      %add3A_257 = arith.constant 4 : i32
      %add3A_258 = arith.addi %mul3A_256, %add3A_257 : i32
      %min3A_259 = arith.constant 124 : i32
      %min3A_260 = arith.minsi %add3A_258, %min3A_259 : i32
      %dma_start3A_261 = arith.constant 0 : i32
      %dma_start3A_262 = tpu.memref_slice %arg7[%min3A_260, %dma_start3A_261] : memref<125x80xi32, #tpu.memory_space<vmem>> -> memref<1x80xi32, #tpu.memory_space<vmem>>
      %dma_start3A_263 = tpu.memref_squeeze %dma_start3A_262 : memref<1x80xi32, #tpu.memory_space<vmem>> -> memref<80xi32, #tpu.memory_space<vmem>>
      %dma_start3A_264 = arith.constant 0 : i32
      %dma_start3A_265 = arith.constant 0 : i32
      %dma_start3A_266 = tpu.memref_slice %arg2[%dma_start3A_264, %dma_start3A_265] : memref<10000x64xf32, #tpu.memory_space<hbm>> -> memref<10000x64xf32, #tpu.memory_space<hbm>>
      tpu.enqueue_indirect_dma source(%dma_start3A_266 : memref<10000x64xf32, #tpu.memory_space<hbm>>) target(%arg14 : memref<80x64xf32, #tpu.memory_space<vmem>>) offsets(%dma_start3A_263 : memref<80xi32, #tpu.memory_space<vmem>>) semaphore(%arg19 : memref<!tpu.dma_semaphore, #tpu.memory_space<semaphore_mem>>)
    }
    %scan3A_41 = arith.constant 25 : i32
    %dma_wait3A = arith.constant 0 : i32
    %dma_wait3A_42 = arith.constant 0 : i32
    %dma_wait3A_43 = tpu.memref_slice %arg7[%dma_wait3A, %dma_wait3A_42] : memref<125x80xi32, #tpu.memory_space<vmem>> -> memref<1x80xi32, #tpu.memory_space<vmem>>
    %dma_wait3A_44 = tpu.memref_squeeze %dma_wait3A_43 : memref<1x80xi32, #tpu.memory_space<vmem>> -> memref<80xi32, #tpu.memory_space<vmem>>
    %dma_wait3A_45 = arith.constant 0 : i32
    %dma_wait3A_46 = arith.constant 0 : i32
    %dma_wait3A_47 = tpu.memref_slice %arg2[%dma_wait3A_45, %dma_wait3A_46] : memref<10000x64xf32, #tpu.memory_space<hbm>> -> memref<10000x64xf32, #tpu.memory_space<hbm>>
    tpu.wait_indirect_dma semaphore(%arg15 : memref<!tpu.dma_semaphore, #tpu.memory_space<semaphore_mem>>) src(%dma_wait3A_47 : memref<10000x64xf32, #tpu.memory_space<hbm>>) dst(%arg10 : memref<80x64xf32, #tpu.memory_space<vmem>>)
    %dma_wait3A_48 = arith.constant 0 : i32
    %dma_wait3A_49 = arith.constant 0 : i32
    %dma_wait3A_50 = tpu.memref_slice %arg7[%dma_wait3A_48, %dma_wait3A_49] : memref<125x80xi32, #tpu.memory_space<vmem>> -> memref<1x80xi32, #tpu.memory_space<vmem>>
    %dma_wait3A_51 = tpu.memref_squeeze %dma_wait3A_50 : memref<1x80xi32, #tpu.memory_space<vmem>> -> memref<80xi32, #tpu.memory_space<vmem>>
    %dma_wait3A_52 = arith.constant 0 : i32
    %dma_wait3A_53 = arith.constant 0 : i32
    %dma_wait3A_54 = tpu.memref_slice %arg2[%dma_wait3A_52, %dma_wait3A_53] : memref<10000x64xf32, #tpu.memory_space<hbm>> -> memref<10000x64xf32, #tpu.memory_space<hbm>>
    tpu.wait_indirect_dma semaphore(%arg16 : memref<!tpu.dma_semaphore, #tpu.memory_space<semaphore_mem>>) src(%dma_wait3A_54 : memref<10000x64xf32, #tpu.memory_space<hbm>>) dst(%arg11 : memref<80x64xf32, #tpu.memory_space<vmem>>)
    %dma_wait3A_55 = arith.constant 0 : i32
    %dma_wait3A_56 = arith.constant 0 : i32
    %dma_wait3A_57 = tpu.memref_slice %arg7[%dma_wait3A_55, %dma_wait3A_56] : memref<125x80xi32, #tpu.memory_space<vmem>> -> memref<1x80xi32, #tpu.memory_space<vmem>>
    %dma_wait3A_58 = tpu.memref_squeeze %dma_wait3A_57 : memref<1x80xi32, #tpu.memory_space<vmem>> -> memref<80xi32, #tpu.memory_space<vmem>>
    %dma_wait3A_59 = arith.constant 0 : i32
    %dma_wait3A_60 = arith.constant 0 : i32
    %dma_wait3A_61 = tpu.memref_slice %arg2[%dma_wait3A_59, %dma_wait3A_60] : memref<10000x64xf32, #tpu.memory_space<hbm>> -> memref<10000x64xf32, #tpu.memory_space<hbm>>
    tpu.wait_indirect_dma semaphore(%arg17 : memref<!tpu.dma_semaphore, #tpu.memory_space<semaphore_mem>>) src(%dma_wait3A_61 : memref<10000x64xf32, #tpu.memory_space<hbm>>) dst(%arg12 : memref<80x64xf32, #tpu.memory_space<vmem>>)
    %dma_wait3A_62 = arith.constant 0 : i32
    %dma_wait3A_63 = arith.constant 0 : i32
    %dma_wait3A_64 = tpu.memref_slice %arg7[%dma_wait3A_62, %dma_wait3A_63] : memref<125x80xi32, #tpu.memory_space<vmem>> -> memref<1x80xi32, #tpu.memory_space<vmem>>
    %dma_wait3A_65 = tpu.memref_squeeze %dma_wait3A_64 : memref<1x80xi32, #tpu.memory_space<vmem>> -> memref<80xi32, #tpu.memory_space<vmem>>
    %dma_wait3A_66 = arith.constant 0 : i32
    %dma_wait3A_67 = arith.constant 0 : i32
    %dma_wait3A_68 = tpu.memref_slice %arg2[%dma_wait3A_66, %dma_wait3A_67] : memref<10000x64xf32, #tpu.memory_space<hbm>> -> memref<10000x64xf32, #tpu.memory_space<hbm>>
    tpu.wait_indirect_dma semaphore(%arg18 : memref<!tpu.dma_semaphore, #tpu.memory_space<semaphore_mem>>) src(%dma_wait3A_68 : memref<10000x64xf32, #tpu.memory_space<hbm>>) dst(%arg13 : memref<80x64xf32, #tpu.memory_space<vmem>>)
    %dma_wait3A_69 = arith.constant 0 : i32
    %dma_wait3A_70 = arith.constant 0 : i32
    %dma_wait3A_71 = tpu.memref_slice %arg7[%dma_wait3A_69, %dma_wait3A_70] : memref<125x80xi32, #tpu.memory_space<vmem>> -> memref<1x80xi32, #tpu.memory_space<vmem>>
    %dma_wait3A_72 = tpu.memref_squeeze %dma_wait3A_71 : memref<1x80xi32, #tpu.memory_space<vmem>> -> memref<80xi32, #tpu.memory_space<vmem>>
    %dma_wait3A_73 = arith.constant 0 : i32
    %dma_wait3A_74 = arith.constant 0 : i32
    %dma_wait3A_75 = tpu.memref_slice %arg2[%dma_wait3A_73, %dma_wait3A_74] : memref<10000x64xf32, #tpu.memory_space<hbm>> -> memref<10000x64xf32, #tpu.memory_space<hbm>>
    tpu.wait_indirect_dma semaphore(%arg19 : memref<!tpu.dma_semaphore, #tpu.memory_space<semaphore_mem>>) src(%dma_wait3A_75 : memref<10000x64xf32, #tpu.memory_space<hbm>>) dst(%arg14 : memref<80x64xf32, #tpu.memory_space<vmem>>)
    %barrier3A_76 = arith.constant 0 : index
    tpu.barrier barrier_id(%barrier3A_76)
    "tpu.region"() ({
      %run_scoped3A = tpu.sem_alloc : memref<!tpu.dma_semaphore, #tpu.memory_space<semaphore_mem>>
      %dma_start3A_77 = arith.constant 0 : i32
      %dma_start3A_78 = tpu.memref_slice %arg6[%arg0, %mul3A_0, %dma_start3A_77] : memref<2x10240x64xf32, #tpu.memory_space<hbm>> -> memref<1x640x64xf32, #tpu.memory_space<hbm>>
      %dma_start3A_79 = tpu.memref_squeeze %dma_start3A_78 : memref<1x640x64xf32, #tpu.memory_space<hbm>> -> memref<640x64xf32, #tpu.memory_space<hbm>>
      %dma_start3A_80 = arith.constant 0 : i32
      %dma_start3A_81 = tpu.memref_slice %arg9[%mul3A_0, %dma_start3A_80] : memref<10240x64xf32, #tpu.memory_space<vmem_shared>> -> memref<640x64xf32, #tpu.memory_space<vmem_shared>>
      tpu.enqueue_dma source(%dma_start3A_81 : memref<640x64xf32, #tpu.memory_space<vmem_shared>>) target(%dma_start3A_79 : memref<640x64xf32, #tpu.memory_space<hbm>>) target_semaphore(%run_scoped3A : memref<!tpu.dma_semaphore, #tpu.memory_space<semaphore_mem>>)
      %dma_wait3A_82 = arith.constant 0 : i32
      %dma_wait3A_83 = tpu.memref_slice %arg6[%arg0, %mul3A_0, %dma_wait3A_82] : memref<2x10240x64xf32, #tpu.memory_space<hbm>> -> memref<1x640x64xf32, #tpu.memory_space<hbm>>
      %dma_wait3A_84 = tpu.memref_squeeze %dma_wait3A_83 : memref<1x640x64xf32, #tpu.memory_space<hbm>> -> memref<640x64xf32, #tpu.memory_space<hbm>>
      %dma_wait3A_85 = arith.constant 0 : i32
      %dma_wait3A_86 = tpu.memref_slice %arg9[%mul3A_0, %dma_wait3A_85] : memref<10240x64xf32, #tpu.memory_space<vmem_shared>> -> memref<640x64xf32, #tpu.memory_space<vmem_shared>>
      tpu.wait_dma2 semaphore(%run_scoped3A : memref<!tpu.dma_semaphore, #tpu.memory_space<semaphore_mem>>) src(%dma_wait3A_86 : memref<640x64xf32, #tpu.memory_space<vmem_shared>>) dst(%dma_wait3A_84 : memref<640x64xf32, #tpu.memory_space<hbm>>)
      tpu.yield
    }) : () -> ()
    return
  }
}

#map = affine_map<(d0, d1) -> (0, 0)>
#map1 = affine_map<(d0, d1) -> (0, 0, 0)>
module attributes {stable_mosaic.version = 14 : i64} {
  func.func @_sc_agg_body(%arg0: i32, %arg1: i32, %arg2: memref<10000x64xf32, #tpu.memory_space<hbm>>, %arg3: memref<32x125x80xi32, #tpu.memory_space<hbm>>, %arg4: memref<32x125x80xi32, #tpu.memory_space<hbm>>, %arg5: memref<10240x64xf32, #tpu.memory_space<hbm>>, %arg6: memref<10240x16xf32, #tpu.memory_space<hbm>>, %arg7: memref<80x16xf32, #tpu.memory_space<hbm>>, %arg8: memref<2x10240x64xf32, #tpu.memory_space<hbm>>, %arg9: memref<2x10240x16xf32, #tpu.memory_space<hbm>>, %arg10: memref<125x80xi32, #tpu.memory_space<vmem>>, %arg11: memref<125x80xi32, #tpu.memory_space<vmem>>, %arg12: memref<80x16xf32, #tpu.memory_space<vmem>>, %arg13: memref<10240x64xf32, #tpu.memory_space<vmem_shared>>, %arg14: memref<10240x16xf32, #tpu.memory_space<vmem_shared>>, %arg15: memref<80x64xf32, #tpu.memory_space<vmem>>, %arg16: memref<80x64xf32, #tpu.memory_space<vmem>>, %arg17: memref<80x64xf32, #tpu.memory_space<vmem>>, %arg18: memref<80x64xf32, #tpu.memory_space<vmem>>, %arg19: memref<80x64xf32, #tpu.memory_space<vmem>>, %arg20: memref<!tpu.dma_semaphore, #tpu.memory_space<semaphore_mem>>, %arg21: memref<!tpu.dma_semaphore, #tpu.memory_space<semaphore_mem>>, %arg22: memref<!tpu.dma_semaphore, #tpu.memory_space<semaphore_mem>>, %arg23: memref<!tpu.dma_semaphore, #tpu.memory_space<semaphore_mem>>, %arg24: memref<!tpu.dma_semaphore, #tpu.memory_space<semaphore_mem>>, %arg25: memref<!tpu.dma_semaphore, #tpu.memory_space<semaphore_mem>>, %arg26: memref<!tpu.dma_semaphore, #tpu.memory_space<semaphore_mem>>, %arg27: memref<!tpu.dma_semaphore, #tpu.memory_space<semaphore_mem>>, %arg28: memref<!tpu.dma_semaphore, #tpu.memory_space<semaphore_mem>>, %arg29: memref<!tpu.dma_semaphore, #tpu.memory_space<semaphore_mem>>, %arg30: memref<!tpu.dma_semaphore, #tpu.memory_space<semaphore_mem>>, %arg31: memref<!tpu.dma_semaphore, #tpu.memory_space<semaphore_mem>>, %arg32: memref<!tpu.dma_semaphore, #tpu.memory_space<semaphore_mem>>, %arg33: memref<!tpu.dma_semaphore, #tpu.memory_space<semaphore_mem>>, %arg34: memref<!tpu.dma_semaphore, #tpu.memory_space<semaphore_mem>>) attributes {dimension_semantics = [#tpu.dimension_semantics<core_parallel>, #tpu.dimension_semantics<subcore_parallel>], iteration_bounds = array<i64: 2, 16>, scalar_prefetch = 0 : i64, scratch_operands = 25 : i64, tpu.core_type = #tpu.core_type<sc_vector_subcore>, window_params = [{transform_indices = #map}, {transform_indices = #map1}, {transform_indices = #map1}, {transform_indices = #map}, {transform_indices = #map}, {transform_indices = #map}, {transform_indices = #map1}, {transform_indices = #map1}]} {
    %mul3A = arith.constant 640 : i32
    %mul3A_0 = arith.muli %arg1, %mul3A : i32
    %mul3A_1 = arith.constant 16 : i32
    %mul3A_2 = arith.muli %arg0, %mul3A_1 : i32
    %add3A = arith.addi %mul3A_2, %arg1 : i32
    "tpu.region"() ({
      %run_scoped3A = tpu.sem_alloc : memref<!tpu.dma_semaphore, #tpu.memory_space<semaphore_mem>>
      %dma_start3A_77 = arith.constant 0 : i32
      %dma_start3A_78 = tpu.memref_slice %arg13[%mul3A_0, %dma_start3A_77] : memref<10240x64xf32, #tpu.memory_space<vmem_shared>> -> memref<640x64xf32, #tpu.memory_space<vmem_shared>>
      %dma_start3A_79 = arith.constant 0 : i32
      %dma_start3A_80 = tpu.memref_slice %arg5[%mul3A_0, %dma_start3A_79] : memref<10240x64xf32, #tpu.memory_space<hbm>> -> memref<640x64xf32, #tpu.memory_space<hbm>>
      tpu.enqueue_dma source(%dma_start3A_80 : memref<640x64xf32, #tpu.memory_space<hbm>>) target(%dma_start3A_78 : memref<640x64xf32, #tpu.memory_space<vmem_shared>>) target_semaphore(%run_scoped3A : memref<!tpu.dma_semaphore, #tpu.memory_space<semaphore_mem>>)
      %dma_wait3A_81 = arith.constant 0 : i32
      %dma_wait3A_82 = tpu.memref_slice %arg13[%mul3A_0, %dma_wait3A_81] : memref<10240x64xf32, #tpu.memory_space<vmem_shared>> -> memref<640x64xf32, #tpu.memory_space<vmem_shared>>
      %dma_wait3A_83 = arith.constant 0 : i32
      %dma_wait3A_84 = tpu.memref_slice %arg5[%mul3A_0, %dma_wait3A_83] : memref<10240x64xf32, #tpu.memory_space<hbm>> -> memref<640x64xf32, #tpu.memory_space<hbm>>
      tpu.wait_dma2 semaphore(%run_scoped3A : memref<!tpu.dma_semaphore, #tpu.memory_space<semaphore_mem>>) src(%dma_wait3A_84 : memref<640x64xf32, #tpu.memory_space<hbm>>) dst(%dma_wait3A_82 : memref<640x64xf32, #tpu.memory_space<vmem_shared>>)
      tpu.yield
    }) : () -> ()
    "tpu.region"() ({
      %run_scoped3A = tpu.sem_alloc : memref<!tpu.dma_semaphore, #tpu.memory_space<semaphore_mem>>
      %dma_start3A_77 = arith.constant 0 : i32
      %dma_start3A_78 = arith.constant 0 : i32
      %dma_start3A_79 = tpu.memref_slice %arg3[%add3A, %dma_start3A_77, %dma_start3A_78] : memref<32x125x80xi32, #tpu.memory_space<hbm>> -> memref<1x125x80xi32, #tpu.memory_space<hbm>>
      %dma_start3A_80 = tpu.memref_squeeze %dma_start3A_79 : memref<1x125x80xi32, #tpu.memory_space<hbm>> -> memref<125x80xi32, #tpu.memory_space<hbm>>
      %dma_start3A_81 = arith.constant 0 : i32
      %dma_start3A_82 = arith.constant 0 : i32
      %dma_start3A_83 = tpu.memref_slice %arg3[%add3A, %dma_start3A_81, %dma_start3A_82] : memref<32x125x80xi32, #tpu.memory_space<hbm>> -> memref<1x125x80xi32, #tpu.memory_space<hbm>>
      %dma_start3A_84 = tpu.memref_squeeze %dma_start3A_83 : memref<1x125x80xi32, #tpu.memory_space<hbm>> -> memref<125x80xi32, #tpu.memory_space<hbm>>
      tpu.enqueue_dma source(%dma_start3A_84 : memref<125x80xi32, #tpu.memory_space<hbm>>) target(%arg10 : memref<125x80xi32, #tpu.memory_space<vmem>>) target_semaphore(%run_scoped3A : memref<!tpu.dma_semaphore, #tpu.memory_space<semaphore_mem>>)
      %dma_wait3A_85 = arith.constant 0 : i32
      %dma_wait3A_86 = arith.constant 0 : i32
      %dma_wait3A_87 = tpu.memref_slice %arg3[%add3A, %dma_wait3A_85, %dma_wait3A_86] : memref<32x125x80xi32, #tpu.memory_space<hbm>> -> memref<1x125x80xi32, #tpu.memory_space<hbm>>
      %dma_wait3A_88 = tpu.memref_squeeze %dma_wait3A_87 : memref<1x125x80xi32, #tpu.memory_space<hbm>> -> memref<125x80xi32, #tpu.memory_space<hbm>>
      %dma_wait3A_89 = arith.constant 0 : i32
      %dma_wait3A_90 = arith.constant 0 : i32
      %dma_wait3A_91 = tpu.memref_slice %arg3[%add3A, %dma_wait3A_89, %dma_wait3A_90] : memref<32x125x80xi32, #tpu.memory_space<hbm>> -> memref<1x125x80xi32, #tpu.memory_space<hbm>>
      %dma_wait3A_92 = tpu.memref_squeeze %dma_wait3A_91 : memref<1x125x80xi32, #tpu.memory_space<hbm>> -> memref<125x80xi32, #tpu.memory_space<hbm>>
      tpu.wait_dma2 semaphore(%run_scoped3A : memref<!tpu.dma_semaphore, #tpu.memory_space<semaphore_mem>>) src(%dma_wait3A_92 : memref<125x80xi32, #tpu.memory_space<hbm>>) dst(%arg10 : memref<125x80xi32, #tpu.memory_space<vmem>>)
      tpu.yield
    }) : () -> ()
    "tpu.region"() ({
      %run_scoped3A = tpu.sem_alloc : memref<!tpu.dma_semaphore, #tpu.memory_space<semaphore_mem>>
      %dma_start3A_77 = arith.constant 0 : i32
      %dma_start3A_78 = arith.constant 0 : i32
      %dma_start3A_79 = tpu.memref_slice %arg4[%add3A, %dma_start3A_77, %dma_start3A_78] : memref<32x125x80xi32, #tpu.memory_space<hbm>> -> memref<1x125x80xi32, #tpu.memory_space<hbm>>
      %dma_start3A_80 = tpu.memref_squeeze %dma_start3A_79 : memref<1x125x80xi32, #tpu.memory_space<hbm>> -> memref<125x80xi32, #tpu.memory_space<hbm>>
      %dma_start3A_81 = arith.constant 0 : i32
      %dma_start3A_82 = arith.constant 0 : i32
      %dma_start3A_83 = tpu.memref_slice %arg4[%add3A, %dma_start3A_81, %dma_start3A_82] : memref<32x125x80xi32, #tpu.memory_space<hbm>> -> memref<1x125x80xi32, #tpu.memory_space<hbm>>
      %dma_start3A_84 = tpu.memref_squeeze %dma_start3A_83 : memref<1x125x80xi32, #tpu.memory_space<hbm>> -> memref<125x80xi32, #tpu.memory_space<hbm>>
      tpu.enqueue_dma source(%dma_start3A_84 : memref<125x80xi32, #tpu.memory_space<hbm>>) target(%arg11 : memref<125x80xi32, #tpu.memory_space<vmem>>) target_semaphore(%run_scoped3A : memref<!tpu.dma_semaphore, #tpu.memory_space<semaphore_mem>>)
      %dma_wait3A_85 = arith.constant 0 : i32
      %dma_wait3A_86 = arith.constant 0 : i32
      %dma_wait3A_87 = tpu.memref_slice %arg4[%add3A, %dma_wait3A_85, %dma_wait3A_86] : memref<32x125x80xi32, #tpu.memory_space<hbm>> -> memref<1x125x80xi32, #tpu.memory_space<hbm>>
      %dma_wait3A_88 = tpu.memref_squeeze %dma_wait3A_87 : memref<1x125x80xi32, #tpu.memory_space<hbm>> -> memref<125x80xi32, #tpu.memory_space<hbm>>
      %dma_wait3A_89 = arith.constant 0 : i32
      %dma_wait3A_90 = arith.constant 0 : i32
      %dma_wait3A_91 = tpu.memref_slice %arg4[%add3A, %dma_wait3A_89, %dma_wait3A_90] : memref<32x125x80xi32, #tpu.memory_space<hbm>> -> memref<1x125x80xi32, #tpu.memory_space<hbm>>
      %dma_wait3A_92 = tpu.memref_squeeze %dma_wait3A_91 : memref<1x125x80xi32, #tpu.memory_space<hbm>> -> memref<125x80xi32, #tpu.memory_space<hbm>>
      tpu.wait_dma2 semaphore(%run_scoped3A : memref<!tpu.dma_semaphore, #tpu.memory_space<semaphore_mem>>) src(%dma_wait3A_92 : memref<125x80xi32, #tpu.memory_space<hbm>>) dst(%arg11 : memref<125x80xi32, #tpu.memory_space<vmem>>)
      tpu.yield
    }) : () -> ()
    "tpu.region"() ({
      %run_scoped3A = tpu.sem_alloc : memref<!tpu.dma_semaphore, #tpu.memory_space<semaphore_mem>>
      %dma_start3A_77 = arith.constant 0 : i32
      %dma_start3A_78 = tpu.memref_slice %arg14[%mul3A_0, %dma_start3A_77] : memref<10240x16xf32, #tpu.memory_space<vmem_shared>> -> memref<640x16xf32, #tpu.memory_space<vmem_shared>>
      %dma_start3A_79 = arith.constant 0 : i32
      %dma_start3A_80 = tpu.memref_slice %arg6[%mul3A_0, %dma_start3A_79] : memref<10240x16xf32, #tpu.memory_space<hbm>> -> memref<640x16xf32, #tpu.memory_space<hbm>>
      tpu.enqueue_dma source(%dma_start3A_80 : memref<640x16xf32, #tpu.memory_space<hbm>>) target(%dma_start3A_78 : memref<640x16xf32, #tpu.memory_space<vmem_shared>>) target_semaphore(%run_scoped3A : memref<!tpu.dma_semaphore, #tpu.memory_space<semaphore_mem>>)
      %dma_wait3A_81 = arith.constant 0 : i32
      %dma_wait3A_82 = tpu.memref_slice %arg14[%mul3A_0, %dma_wait3A_81] : memref<10240x16xf32, #tpu.memory_space<vmem_shared>> -> memref<640x16xf32, #tpu.memory_space<vmem_shared>>
      %dma_wait3A_83 = arith.constant 0 : i32
      %dma_wait3A_84 = tpu.memref_slice %arg6[%mul3A_0, %dma_wait3A_83] : memref<10240x16xf32, #tpu.memory_space<hbm>> -> memref<640x16xf32, #tpu.memory_space<hbm>>
      tpu.wait_dma2 semaphore(%run_scoped3A : memref<!tpu.dma_semaphore, #tpu.memory_space<semaphore_mem>>) src(%dma_wait3A_84 : memref<640x16xf32, #tpu.memory_space<hbm>>) dst(%dma_wait3A_82 : memref<640x16xf32, #tpu.memory_space<vmem_shared>>)
      tpu.yield
    }) : () -> ()
    "tpu.region"() ({
      %run_scoped3A = tpu.sem_alloc : memref<!tpu.dma_semaphore, #tpu.memory_space<semaphore_mem>>
      tpu.enqueue_dma source(%arg7 : memref<80x16xf32, #tpu.memory_space<hbm>>) target(%arg12 : memref<80x16xf32, #tpu.memory_space<vmem>>) target_semaphore(%run_scoped3A : memref<!tpu.dma_semaphore, #tpu.memory_space<semaphore_mem>>)
      tpu.wait_dma2 semaphore(%run_scoped3A : memref<!tpu.dma_semaphore, #tpu.memory_space<semaphore_mem>>) src(%arg7 : memref<80x16xf32, #tpu.memory_space<hbm>>) dst(%arg12 : memref<80x16xf32, #tpu.memory_space<vmem>>)
      tpu.yield
    }) : () -> ()
    %barrier3A = arith.constant 0 : index
    tpu.barrier barrier_id(%barrier3A)
    %dma_start3A = arith.constant 0 : i32
    %dma_start3A_3 = arith.constant 0 : i32
    %dma_start3A_4 = tpu.memref_slice %arg10[%dma_start3A, %dma_start3A_3] : memref<125x80xi32, #tpu.memory_space<vmem>> -> memref<1x80xi32, #tpu.memory_space<vmem>>
    %dma_start3A_5 = tpu.memref_squeeze %dma_start3A_4 : memref<1x80xi32, #tpu.memory_space<vmem>> -> memref<80xi32, #tpu.memory_space<vmem>>
    %dma_start3A_6 = arith.constant 0 : i32
    %dma_start3A_7 = arith.constant 0 : i32
    %dma_start3A_8 = tpu.memref_slice %arg2[%dma_start3A_6, %dma_start3A_7] : memref<10000x64xf32, #tpu.memory_space<hbm>> -> memref<10000x64xf32, #tpu.memory_space<hbm>>
    tpu.enqueue_indirect_dma source(%dma_start3A_8 : memref<10000x64xf32, #tpu.memory_space<hbm>>) target(%arg15 : memref<80x64xf32, #tpu.memory_space<vmem>>) offsets(%dma_start3A_5 : memref<80xi32, #tpu.memory_space<vmem>>) semaphore(%arg20 : memref<!tpu.dma_semaphore, #tpu.memory_space<semaphore_mem>>)
    %dma_start3A_9 = arith.constant 1 : i32
    %dma_start3A_10 = arith.constant 0 : i32
    %dma_start3A_11 = tpu.memref_slice %arg10[%dma_start3A_9, %dma_start3A_10] : memref<125x80xi32, #tpu.memory_space<vmem>> -> memref<1x80xi32, #tpu.memory_space<vmem>>
    %dma_start3A_12 = tpu.memref_squeeze %dma_start3A_11 : memref<1x80xi32, #tpu.memory_space<vmem>> -> memref<80xi32, #tpu.memory_space<vmem>>
    %dma_start3A_13 = arith.constant 0 : i32
    %dma_start3A_14 = arith.constant 0 : i32
    %dma_start3A_15 = tpu.memref_slice %arg2[%dma_start3A_13, %dma_start3A_14] : memref<10000x64xf32, #tpu.memory_space<hbm>> -> memref<10000x64xf32, #tpu.memory_space<hbm>>
    tpu.enqueue_indirect_dma source(%dma_start3A_15 : memref<10000x64xf32, #tpu.memory_space<hbm>>) target(%arg16 : memref<80x64xf32, #tpu.memory_space<vmem>>) offsets(%dma_start3A_12 : memref<80xi32, #tpu.memory_space<vmem>>) semaphore(%arg21 : memref<!tpu.dma_semaphore, #tpu.memory_space<semaphore_mem>>)
    %dma_start3A_16 = arith.constant 2 : i32
    %dma_start3A_17 = arith.constant 0 : i32
    %dma_start3A_18 = tpu.memref_slice %arg10[%dma_start3A_16, %dma_start3A_17] : memref<125x80xi32, #tpu.memory_space<vmem>> -> memref<1x80xi32, #tpu.memory_space<vmem>>
    %dma_start3A_19 = tpu.memref_squeeze %dma_start3A_18 : memref<1x80xi32, #tpu.memory_space<vmem>> -> memref<80xi32, #tpu.memory_space<vmem>>
    %dma_start3A_20 = arith.constant 0 : i32
    %dma_start3A_21 = arith.constant 0 : i32
    %dma_start3A_22 = tpu.memref_slice %arg2[%dma_start3A_20, %dma_start3A_21] : memref<10000x64xf32, #tpu.memory_space<hbm>> -> memref<10000x64xf32, #tpu.memory_space<hbm>>
    tpu.enqueue_indirect_dma source(%dma_start3A_22 : memref<10000x64xf32, #tpu.memory_space<hbm>>) target(%arg17 : memref<80x64xf32, #tpu.memory_space<vmem>>) offsets(%dma_start3A_19 : memref<80xi32, #tpu.memory_space<vmem>>) semaphore(%arg22 : memref<!tpu.dma_semaphore, #tpu.memory_space<semaphore_mem>>)
    %dma_start3A_23 = arith.constant 3 : i32
    %dma_start3A_24 = arith.constant 0 : i32
    %dma_start3A_25 = tpu.memref_slice %arg10[%dma_start3A_23, %dma_start3A_24] : memref<125x80xi32, #tpu.memory_space<vmem>> -> memref<1x80xi32, #tpu.memory_space<vmem>>
    %dma_start3A_26 = tpu.memref_squeeze %dma_start3A_25 : memref<1x80xi32, #tpu.memory_space<vmem>> -> memref<80xi32, #tpu.memory_space<vmem>>
    %dma_start3A_27 = arith.constant 0 : i32
    %dma_start3A_28 = arith.constant 0 : i32
    %dma_start3A_29 = tpu.memref_slice %arg2[%dma_start3A_27, %dma_start3A_28] : memref<10000x64xf32, #tpu.memory_space<hbm>> -> memref<10000x64xf32, #tpu.memory_space<hbm>>
    tpu.enqueue_indirect_dma source(%dma_start3A_29 : memref<10000x64xf32, #tpu.memory_space<hbm>>) target(%arg18 : memref<80x64xf32, #tpu.memory_space<vmem>>) offsets(%dma_start3A_26 : memref<80xi32, #tpu.memory_space<vmem>>) semaphore(%arg23 : memref<!tpu.dma_semaphore, #tpu.memory_space<semaphore_mem>>)
    %dma_start3A_30 = arith.constant 4 : i32
    %dma_start3A_31 = arith.constant 0 : i32
    %dma_start3A_32 = tpu.memref_slice %arg10[%dma_start3A_30, %dma_start3A_31] : memref<125x80xi32, #tpu.memory_space<vmem>> -> memref<1x80xi32, #tpu.memory_space<vmem>>
    %dma_start3A_33 = tpu.memref_squeeze %dma_start3A_32 : memref<1x80xi32, #tpu.memory_space<vmem>> -> memref<80xi32, #tpu.memory_space<vmem>>
    %dma_start3A_34 = arith.constant 0 : i32
    %dma_start3A_35 = arith.constant 0 : i32
    %dma_start3A_36 = tpu.memref_slice %arg2[%dma_start3A_34, %dma_start3A_35] : memref<10000x64xf32, #tpu.memory_space<hbm>> -> memref<10000x64xf32, #tpu.memory_space<hbm>>
    tpu.enqueue_indirect_dma source(%dma_start3A_36 : memref<10000x64xf32, #tpu.memory_space<hbm>>) target(%arg19 : memref<80x64xf32, #tpu.memory_space<vmem>>) offsets(%dma_start3A_33 : memref<80xi32, #tpu.memory_space<vmem>>) semaphore(%arg24 : memref<!tpu.dma_semaphore, #tpu.memory_space<semaphore_mem>>)
    %scan3A = arith.constant 0 : i32
    %scan3A_37 = arith.constant 0 : i32
    %scan3A_38 = arith.constant 25 : i32
    %scan3A_39 = arith.addi %scan3A_37, %scan3A_38 : i32
    %scan3A_40 = arith.constant 1 : i32
    scf.for %scan3A_77 = %scan3A_37 to %scan3A_39 step %scan3A_40  : i32 {
      %mul3A_78 = arith.constant 5 : i32
      %mul3A_79 = arith.muli %scan3A_77, %mul3A_78 : i32
      %add3A_80 = arith.constant 0 : i32
      %add3A_81 = arith.addi %mul3A_79, %add3A_80 : i32
      %dma_wait3A_82 = arith.constant 0 : i32
      %dma_wait3A_83 = arith.constant 0 : i32
      %dma_wait3A_84 = tpu.memref_slice %arg10[%dma_wait3A_82, %dma_wait3A_83] : memref<125x80xi32, #tpu.memory_space<vmem>> -> memref<1x80xi32, #tpu.memory_space<vmem>>
      %dma_wait3A_85 = tpu.memref_squeeze %dma_wait3A_84 : memref<1x80xi32, #tpu.memory_space<vmem>> -> memref<80xi32, #tpu.memory_space<vmem>>
      %dma_wait3A_86 = arith.constant 0 : i32
      %dma_wait3A_87 = arith.constant 0 : i32
      %dma_wait3A_88 = tpu.memref_slice %arg2[%dma_wait3A_86, %dma_wait3A_87] : memref<10000x64xf32, #tpu.memory_space<hbm>> -> memref<10000x64xf32, #tpu.memory_space<hbm>>
      tpu.wait_indirect_dma semaphore(%arg20 : memref<!tpu.dma_semaphore, #tpu.memory_space<semaphore_mem>>) src(%dma_wait3A_88 : memref<10000x64xf32, #tpu.memory_space<hbm>>) dst(%arg15 : memref<80x64xf32, #tpu.memory_space<vmem>>)
      %dma_start3A_89 = arith.constant 0 : i32
      %dma_start3A_90 = tpu.memref_slice %arg11[%add3A_81, %dma_start3A_89] : memref<125x80xi32, #tpu.memory_space<vmem>> -> memref<1x80xi32, #tpu.memory_space<vmem>>
      %dma_start3A_91 = tpu.memref_squeeze %dma_start3A_90 : memref<1x80xi32, #tpu.memory_space<vmem>> -> memref<80xi32, #tpu.memory_space<vmem>>
      %dma_start3A_92 = arith.constant 0 : i32
      %dma_start3A_93 = arith.constant 0 : i32
      %dma_start3A_94 = tpu.memref_slice %arg13[%dma_start3A_92, %dma_start3A_93] : memref<10240x64xf32, #tpu.memory_space<vmem_shared>> -> memref<10240x64xf32, #tpu.memory_space<vmem_shared>>
      tpu.enqueue_indirect_dma source(%arg15 : memref<80x64xf32, #tpu.memory_space<vmem>>) target(%dma_start3A_94 : memref<10240x64xf32, #tpu.memory_space<vmem_shared>>) offsets(%dma_start3A_91 : memref<80xi32, #tpu.memory_space<vmem>>) semaphore(%arg25 : memref<!tpu.dma_semaphore, #tpu.memory_space<semaphore_mem>>) {add = true}
      %dma_start3A_95 = arith.constant 0 : i32
      %dma_start3A_96 = tpu.memref_slice %arg11[%add3A_81, %dma_start3A_95] : memref<125x80xi32, #tpu.memory_space<vmem>> -> memref<1x80xi32, #tpu.memory_space<vmem>>
      %dma_start3A_97 = tpu.memref_squeeze %dma_start3A_96 : memref<1x80xi32, #tpu.memory_space<vmem>> -> memref<80xi32, #tpu.memory_space<vmem>>
      %dma_start3A_98 = arith.constant 0 : i32
      %dma_start3A_99 = arith.constant 0 : i32
      %dma_start3A_100 = tpu.memref_slice %arg14[%dma_start3A_98, %dma_start3A_99] : memref<10240x16xf32, #tpu.memory_space<vmem_shared>> -> memref<10240x16xf32, #tpu.memory_space<vmem_shared>>
      tpu.enqueue_indirect_dma source(%arg12 : memref<80x16xf32, #tpu.memory_space<vmem>>) target(%dma_start3A_100 : memref<10240x16xf32, #tpu.memory_space<vmem_shared>>) offsets(%dma_start3A_97 : memref<80xi32, #tpu.memory_space<vmem>>) semaphore(%arg30 : memref<!tpu.dma_semaphore, #tpu.memory_space<semaphore_mem>>) {add = true}
      %mul3A_101 = arith.constant 5 : i32
      %mul3A_102 = arith.muli %scan3A_77, %mul3A_101 : i32
      %add3A_103 = arith.constant 1 : i32
      %add3A_104 = arith.addi %mul3A_102, %add3A_103 : i32
      %dma_wait3A_105 = arith.constant 0 : i32
      %dma_wait3A_106 = arith.constant 0 : i32
      %dma_wait3A_107 = tpu.memref_slice %arg10[%dma_wait3A_105, %dma_wait3A_106] : memref<125x80xi32, #tpu.memory_space<vmem>> -> memref<1x80xi32, #tpu.memory_space<vmem>>
      %dma_wait3A_108 = tpu.memref_squeeze %dma_wait3A_107 : memref<1x80xi32, #tpu.memory_space<vmem>> -> memref<80xi32, #tpu.memory_space<vmem>>
      %dma_wait3A_109 = arith.constant 0 : i32
      %dma_wait3A_110 = arith.constant 0 : i32
      %dma_wait3A_111 = tpu.memref_slice %arg2[%dma_wait3A_109, %dma_wait3A_110] : memref<10000x64xf32, #tpu.memory_space<hbm>> -> memref<10000x64xf32, #tpu.memory_space<hbm>>
      tpu.wait_indirect_dma semaphore(%arg21 : memref<!tpu.dma_semaphore, #tpu.memory_space<semaphore_mem>>) src(%dma_wait3A_111 : memref<10000x64xf32, #tpu.memory_space<hbm>>) dst(%arg16 : memref<80x64xf32, #tpu.memory_space<vmem>>)
      %dma_start3A_112 = arith.constant 0 : i32
      %dma_start3A_113 = tpu.memref_slice %arg11[%add3A_104, %dma_start3A_112] : memref<125x80xi32, #tpu.memory_space<vmem>> -> memref<1x80xi32, #tpu.memory_space<vmem>>
      %dma_start3A_114 = tpu.memref_squeeze %dma_start3A_113 : memref<1x80xi32, #tpu.memory_space<vmem>> -> memref<80xi32, #tpu.memory_space<vmem>>
      %dma_start3A_115 = arith.constant 0 : i32
      %dma_start3A_116 = arith.constant 0 : i32
      %dma_start3A_117 = tpu.memref_slice %arg13[%dma_start3A_115, %dma_start3A_116] : memref<10240x64xf32, #tpu.memory_space<vmem_shared>> -> memref<10240x64xf32, #tpu.memory_space<vmem_shared>>
      tpu.enqueue_indirect_dma source(%arg16 : memref<80x64xf32, #tpu.memory_space<vmem>>) target(%dma_start3A_117 : memref<10240x64xf32, #tpu.memory_space<vmem_shared>>) offsets(%dma_start3A_114 : memref<80xi32, #tpu.memory_space<vmem>>) semaphore(%arg26 : memref<!tpu.dma_semaphore, #tpu.memory_space<semaphore_mem>>) {add = true}
      %dma_start3A_118 = arith.constant 0 : i32
      %dma_start3A_119 = tpu.memref_slice %arg11[%add3A_104, %dma_start3A_118] : memref<125x80xi32, #tpu.memory_space<vmem>> -> memref<1x80xi32, #tpu.memory_space<vmem>>
      %dma_start3A_120 = tpu.memref_squeeze %dma_start3A_119 : memref<1x80xi32, #tpu.memory_space<vmem>> -> memref<80xi32, #tpu.memory_space<vmem>>
      %dma_start3A_121 = arith.constant 0 : i32
      %dma_start3A_122 = arith.constant 0 : i32
      %dma_start3A_123 = tpu.memref_slice %arg14[%dma_start3A_121, %dma_start3A_122] : memref<10240x16xf32, #tpu.memory_space<vmem_shared>> -> memref<10240x16xf32, #tpu.memory_space<vmem_shared>>
      tpu.enqueue_indirect_dma source(%arg12 : memref<80x16xf32, #tpu.memory_space<vmem>>) target(%dma_start3A_123 : memref<10240x16xf32, #tpu.memory_space<vmem_shared>>) offsets(%dma_start3A_120 : memref<80xi32, #tpu.memory_space<vmem>>) semaphore(%arg31 : memref<!tpu.dma_semaphore, #tpu.memory_space<semaphore_mem>>) {add = true}
      %mul3A_124 = arith.constant 5 : i32
      %mul3A_125 = arith.muli %scan3A_77, %mul3A_124 : i32
      %add3A_126 = arith.constant 2 : i32
      %add3A_127 = arith.addi %mul3A_125, %add3A_126 : i32
      %dma_wait3A_128 = arith.constant 0 : i32
      %dma_wait3A_129 = arith.constant 0 : i32
      %dma_wait3A_130 = tpu.memref_slice %arg10[%dma_wait3A_128, %dma_wait3A_129] : memref<125x80xi32, #tpu.memory_space<vmem>> -> memref<1x80xi32, #tpu.memory_space<vmem>>
      %dma_wait3A_131 = tpu.memref_squeeze %dma_wait3A_130 : memref<1x80xi32, #tpu.memory_space<vmem>> -> memref<80xi32, #tpu.memory_space<vmem>>
      %dma_wait3A_132 = arith.constant 0 : i32
      %dma_wait3A_133 = arith.constant 0 : i32
      %dma_wait3A_134 = tpu.memref_slice %arg2[%dma_wait3A_132, %dma_wait3A_133] : memref<10000x64xf32, #tpu.memory_space<hbm>> -> memref<10000x64xf32, #tpu.memory_space<hbm>>
      tpu.wait_indirect_dma semaphore(%arg22 : memref<!tpu.dma_semaphore, #tpu.memory_space<semaphore_mem>>) src(%dma_wait3A_134 : memref<10000x64xf32, #tpu.memory_space<hbm>>) dst(%arg17 : memref<80x64xf32, #tpu.memory_space<vmem>>)
      %dma_start3A_135 = arith.constant 0 : i32
      %dma_start3A_136 = tpu.memref_slice %arg11[%add3A_127, %dma_start3A_135] : memref<125x80xi32, #tpu.memory_space<vmem>> -> memref<1x80xi32, #tpu.memory_space<vmem>>
      %dma_start3A_137 = tpu.memref_squeeze %dma_start3A_136 : memref<1x80xi32, #tpu.memory_space<vmem>> -> memref<80xi32, #tpu.memory_space<vmem>>
      %dma_start3A_138 = arith.constant 0 : i32
      %dma_start3A_139 = arith.constant 0 : i32
      %dma_start3A_140 = tpu.memref_slice %arg13[%dma_start3A_138, %dma_start3A_139] : memref<10240x64xf32, #tpu.memory_space<vmem_shared>> -> memref<10240x64xf32, #tpu.memory_space<vmem_shared>>
      tpu.enqueue_indirect_dma source(%arg17 : memref<80x64xf32, #tpu.memory_space<vmem>>) target(%dma_start3A_140 : memref<10240x64xf32, #tpu.memory_space<vmem_shared>>) offsets(%dma_start3A_137 : memref<80xi32, #tpu.memory_space<vmem>>) semaphore(%arg27 : memref<!tpu.dma_semaphore, #tpu.memory_space<semaphore_mem>>) {add = true}
      %dma_start3A_141 = arith.constant 0 : i32
      %dma_start3A_142 = tpu.memref_slice %arg11[%add3A_127, %dma_start3A_141] : memref<125x80xi32, #tpu.memory_space<vmem>> -> memref<1x80xi32, #tpu.memory_space<vmem>>
      %dma_start3A_143 = tpu.memref_squeeze %dma_start3A_142 : memref<1x80xi32, #tpu.memory_space<vmem>> -> memref<80xi32, #tpu.memory_space<vmem>>
      %dma_start3A_144 = arith.constant 0 : i32
      %dma_start3A_145 = arith.constant 0 : i32
      %dma_start3A_146 = tpu.memref_slice %arg14[%dma_start3A_144, %dma_start3A_145] : memref<10240x16xf32, #tpu.memory_space<vmem_shared>> -> memref<10240x16xf32, #tpu.memory_space<vmem_shared>>
      tpu.enqueue_indirect_dma source(%arg12 : memref<80x16xf32, #tpu.memory_space<vmem>>) target(%dma_start3A_146 : memref<10240x16xf32, #tpu.memory_space<vmem_shared>>) offsets(%dma_start3A_143 : memref<80xi32, #tpu.memory_space<vmem>>) semaphore(%arg32 : memref<!tpu.dma_semaphore, #tpu.memory_space<semaphore_mem>>) {add = true}
      %mul3A_147 = arith.constant 5 : i32
      %mul3A_148 = arith.muli %scan3A_77, %mul3A_147 : i32
      %add3A_149 = arith.constant 3 : i32
      %add3A_150 = arith.addi %mul3A_148, %add3A_149 : i32
      %dma_wait3A_151 = arith.constant 0 : i32
      %dma_wait3A_152 = arith.constant 0 : i32
      %dma_wait3A_153 = tpu.memref_slice %arg10[%dma_wait3A_151, %dma_wait3A_152] : memref<125x80xi32, #tpu.memory_space<vmem>> -> memref<1x80xi32, #tpu.memory_space<vmem>>
      %dma_wait3A_154 = tpu.memref_squeeze %dma_wait3A_153 : memref<1x80xi32, #tpu.memory_space<vmem>> -> memref<80xi32, #tpu.memory_space<vmem>>
      %dma_wait3A_155 = arith.constant 0 : i32
      %dma_wait3A_156 = arith.constant 0 : i32
      %dma_wait3A_157 = tpu.memref_slice %arg2[%dma_wait3A_155, %dma_wait3A_156] : memref<10000x64xf32, #tpu.memory_space<hbm>> -> memref<10000x64xf32, #tpu.memory_space<hbm>>
      tpu.wait_indirect_dma semaphore(%arg23 : memref<!tpu.dma_semaphore, #tpu.memory_space<semaphore_mem>>) src(%dma_wait3A_157 : memref<10000x64xf32, #tpu.memory_space<hbm>>) dst(%arg18 : memref<80x64xf32, #tpu.memory_space<vmem>>)
      %dma_start3A_158 = arith.constant 0 : i32
      %dma_start3A_159 = tpu.memref_slice %arg11[%add3A_150, %dma_start3A_158] : memref<125x80xi32, #tpu.memory_space<vmem>> -> memref<1x80xi32, #tpu.memory_space<vmem>>
      %dma_start3A_160 = tpu.memref_squeeze %dma_start3A_159 : memref<1x80xi32, #tpu.memory_space<vmem>> -> memref<80xi32, #tpu.memory_space<vmem>>
      %dma_start3A_161 = arith.constant 0 : i32
      %dma_start3A_162 = arith.constant 0 : i32
      %dma_start3A_163 = tpu.memref_slice %arg13[%dma_start3A_161, %dma_start3A_162] : memref<10240x64xf32, #tpu.memory_space<vmem_shared>> -> memref<10240x64xf32, #tpu.memory_space<vmem_shared>>
      tpu.enqueue_indirect_dma source(%arg18 : memref<80x64xf32, #tpu.memory_space<vmem>>) target(%dma_start3A_163 : memref<10240x64xf32, #tpu.memory_space<vmem_shared>>) offsets(%dma_start3A_160 : memref<80xi32, #tpu.memory_space<vmem>>) semaphore(%arg28 : memref<!tpu.dma_semaphore, #tpu.memory_space<semaphore_mem>>) {add = true}
      %dma_start3A_164 = arith.constant 0 : i32
      %dma_start3A_165 = tpu.memref_slice %arg11[%add3A_150, %dma_start3A_164] : memref<125x80xi32, #tpu.memory_space<vmem>> -> memref<1x80xi32, #tpu.memory_space<vmem>>
      %dma_start3A_166 = tpu.memref_squeeze %dma_start3A_165 : memref<1x80xi32, #tpu.memory_space<vmem>> -> memref<80xi32, #tpu.memory_space<vmem>>
      %dma_start3A_167 = arith.constant 0 : i32
      %dma_start3A_168 = arith.constant 0 : i32
      %dma_start3A_169 = tpu.memref_slice %arg14[%dma_start3A_167, %dma_start3A_168] : memref<10240x16xf32, #tpu.memory_space<vmem_shared>> -> memref<10240x16xf32, #tpu.memory_space<vmem_shared>>
      tpu.enqueue_indirect_dma source(%arg12 : memref<80x16xf32, #tpu.memory_space<vmem>>) target(%dma_start3A_169 : memref<10240x16xf32, #tpu.memory_space<vmem_shared>>) offsets(%dma_start3A_166 : memref<80xi32, #tpu.memory_space<vmem>>) semaphore(%arg33 : memref<!tpu.dma_semaphore, #tpu.memory_space<semaphore_mem>>) {add = true}
      %mul3A_170 = arith.constant 5 : i32
      %mul3A_171 = arith.muli %scan3A_77, %mul3A_170 : i32
      %add3A_172 = arith.constant 4 : i32
      %add3A_173 = arith.addi %mul3A_171, %add3A_172 : i32
      %dma_wait3A_174 = arith.constant 0 : i32
      %dma_wait3A_175 = arith.constant 0 : i32
      %dma_wait3A_176 = tpu.memref_slice %arg10[%dma_wait3A_174, %dma_wait3A_175] : memref<125x80xi32, #tpu.memory_space<vmem>> -> memref<1x80xi32, #tpu.memory_space<vmem>>
      %dma_wait3A_177 = tpu.memref_squeeze %dma_wait3A_176 : memref<1x80xi32, #tpu.memory_space<vmem>> -> memref<80xi32, #tpu.memory_space<vmem>>
      %dma_wait3A_178 = arith.constant 0 : i32
      %dma_wait3A_179 = arith.constant 0 : i32
      %dma_wait3A_180 = tpu.memref_slice %arg2[%dma_wait3A_178, %dma_wait3A_179] : memref<10000x64xf32, #tpu.memory_space<hbm>> -> memref<10000x64xf32, #tpu.memory_space<hbm>>
      tpu.wait_indirect_dma semaphore(%arg24 : memref<!tpu.dma_semaphore, #tpu.memory_space<semaphore_mem>>) src(%dma_wait3A_180 : memref<10000x64xf32, #tpu.memory_space<hbm>>) dst(%arg19 : memref<80x64xf32, #tpu.memory_space<vmem>>)
      %dma_start3A_181 = arith.constant 0 : i32
      %dma_start3A_182 = tpu.memref_slice %arg11[%add3A_173, %dma_start3A_181] : memref<125x80xi32, #tpu.memory_space<vmem>> -> memref<1x80xi32, #tpu.memory_space<vmem>>
      %dma_start3A_183 = tpu.memref_squeeze %dma_start3A_182 : memref<1x80xi32, #tpu.memory_space<vmem>> -> memref<80xi32, #tpu.memory_space<vmem>>
      %dma_start3A_184 = arith.constant 0 : i32
      %dma_start3A_185 = arith.constant 0 : i32
      %dma_start3A_186 = tpu.memref_slice %arg13[%dma_start3A_184, %dma_start3A_185] : memref<10240x64xf32, #tpu.memory_space<vmem_shared>> -> memref<10240x64xf32, #tpu.memory_space<vmem_shared>>
      tpu.enqueue_indirect_dma source(%arg19 : memref<80x64xf32, #tpu.memory_space<vmem>>) target(%dma_start3A_186 : memref<10240x64xf32, #tpu.memory_space<vmem_shared>>) offsets(%dma_start3A_183 : memref<80xi32, #tpu.memory_space<vmem>>) semaphore(%arg29 : memref<!tpu.dma_semaphore, #tpu.memory_space<semaphore_mem>>) {add = true}
      %dma_start3A_187 = arith.constant 0 : i32
      %dma_start3A_188 = tpu.memref_slice %arg11[%add3A_173, %dma_start3A_187] : memref<125x80xi32, #tpu.memory_space<vmem>> -> memref<1x80xi32, #tpu.memory_space<vmem>>
      %dma_start3A_189 = tpu.memref_squeeze %dma_start3A_188 : memref<1x80xi32, #tpu.memory_space<vmem>> -> memref<80xi32, #tpu.memory_space<vmem>>
      %dma_start3A_190 = arith.constant 0 : i32
      %dma_start3A_191 = arith.constant 0 : i32
      %dma_start3A_192 = tpu.memref_slice %arg14[%dma_start3A_190, %dma_start3A_191] : memref<10240x16xf32, #tpu.memory_space<vmem_shared>> -> memref<10240x16xf32, #tpu.memory_space<vmem_shared>>
      tpu.enqueue_indirect_dma source(%arg12 : memref<80x16xf32, #tpu.memory_space<vmem>>) target(%dma_start3A_192 : memref<10240x16xf32, #tpu.memory_space<vmem_shared>>) offsets(%dma_start3A_189 : memref<80xi32, #tpu.memory_space<vmem>>) semaphore(%arg34 : memref<!tpu.dma_semaphore, #tpu.memory_space<semaphore_mem>>) {add = true}
      %dma_wait3A_193 = arith.constant 0 : i32
      %dma_wait3A_194 = arith.constant 0 : i32
      %dma_wait3A_195 = tpu.memref_slice %arg11[%dma_wait3A_193, %dma_wait3A_194] : memref<125x80xi32, #tpu.memory_space<vmem>> -> memref<1x80xi32, #tpu.memory_space<vmem>>
      %dma_wait3A_196 = tpu.memref_squeeze %dma_wait3A_195 : memref<1x80xi32, #tpu.memory_space<vmem>> -> memref<80xi32, #tpu.memory_space<vmem>>
      %dma_wait3A_197 = arith.constant 0 : i32
      %dma_wait3A_198 = arith.constant 0 : i32
      %dma_wait3A_199 = tpu.memref_slice %arg13[%dma_wait3A_197, %dma_wait3A_198] : memref<10240x64xf32, #tpu.memory_space<vmem_shared>> -> memref<10240x64xf32, #tpu.memory_space<vmem_shared>>
      tpu.wait_indirect_dma semaphore(%arg25 : memref<!tpu.dma_semaphore, #tpu.memory_space<semaphore_mem>>) src(%arg15 : memref<80x64xf32, #tpu.memory_space<vmem>>) dst(%dma_wait3A_199 : memref<10240x64xf32, #tpu.memory_space<vmem_shared>>)
      %dma_wait3A_200 = arith.constant 0 : i32
      %dma_wait3A_201 = arith.constant 0 : i32
      %dma_wait3A_202 = tpu.memref_slice %arg11[%dma_wait3A_200, %dma_wait3A_201] : memref<125x80xi32, #tpu.memory_space<vmem>> -> memref<1x80xi32, #tpu.memory_space<vmem>>
      %dma_wait3A_203 = tpu.memref_squeeze %dma_wait3A_202 : memref<1x80xi32, #tpu.memory_space<vmem>> -> memref<80xi32, #tpu.memory_space<vmem>>
      %dma_wait3A_204 = arith.constant 0 : i32
      %dma_wait3A_205 = arith.constant 0 : i32
      %dma_wait3A_206 = tpu.memref_slice %arg14[%dma_wait3A_204, %dma_wait3A_205] : memref<10240x16xf32, #tpu.memory_space<vmem_shared>> -> memref<10240x16xf32, #tpu.memory_space<vmem_shared>>
      tpu.wait_indirect_dma semaphore(%arg30 : memref<!tpu.dma_semaphore, #tpu.memory_space<semaphore_mem>>) src(%arg12 : memref<80x16xf32, #tpu.memory_space<vmem>>) dst(%dma_wait3A_206 : memref<10240x16xf32, #tpu.memory_space<vmem_shared>>)
      %add3A_207 = arith.constant 1 : i32
      %add3A_208 = arith.addi %scan3A_77, %add3A_207 : i32
      %mul3A_209 = arith.constant 5 : i32
      %mul3A_210 = arith.muli %add3A_208, %mul3A_209 : i32
      %add3A_211 = arith.constant 0 : i32
      %add3A_212 = arith.addi %mul3A_210, %add3A_211 : i32
      %min3A = arith.constant 124 : i32
      %min3A_213 = arith.minsi %add3A_212, %min3A : i32
      %dma_start3A_214 = arith.constant 0 : i32
      %dma_start3A_215 = tpu.memref_slice %arg10[%min3A_213, %dma_start3A_214] : memref<125x80xi32, #tpu.memory_space<vmem>> -> memref<1x80xi32, #tpu.memory_space<vmem>>
      %dma_start3A_216 = tpu.memref_squeeze %dma_start3A_215 : memref<1x80xi32, #tpu.memory_space<vmem>> -> memref<80xi32, #tpu.memory_space<vmem>>
      %dma_start3A_217 = arith.constant 0 : i32
      %dma_start3A_218 = arith.constant 0 : i32
      %dma_start3A_219 = tpu.memref_slice %arg2[%dma_start3A_217, %dma_start3A_218] : memref<10000x64xf32, #tpu.memory_space<hbm>> -> memref<10000x64xf32, #tpu.memory_space<hbm>>
      tpu.enqueue_indirect_dma source(%dma_start3A_219 : memref<10000x64xf32, #tpu.memory_space<hbm>>) target(%arg15 : memref<80x64xf32, #tpu.memory_space<vmem>>) offsets(%dma_start3A_216 : memref<80xi32, #tpu.memory_space<vmem>>) semaphore(%arg20 : memref<!tpu.dma_semaphore, #tpu.memory_space<semaphore_mem>>)
      %dma_wait3A_220 = arith.constant 0 : i32
      %dma_wait3A_221 = arith.constant 0 : i32
      %dma_wait3A_222 = tpu.memref_slice %arg11[%dma_wait3A_220, %dma_wait3A_221] : memref<125x80xi32, #tpu.memory_space<vmem>> -> memref<1x80xi32, #tpu.memory_space<vmem>>
      %dma_wait3A_223 = tpu.memref_squeeze %dma_wait3A_222 : memref<1x80xi32, #tpu.memory_space<vmem>> -> memref<80xi32, #tpu.memory_space<vmem>>
      %dma_wait3A_224 = arith.constant 0 : i32
      %dma_wait3A_225 = arith.constant 0 : i32
      %dma_wait3A_226 = tpu.memref_slice %arg13[%dma_wait3A_224, %dma_wait3A_225] : memref<10240x64xf32, #tpu.memory_space<vmem_shared>> -> memref<10240x64xf32, #tpu.memory_space<vmem_shared>>
      tpu.wait_indirect_dma semaphore(%arg26 : memref<!tpu.dma_semaphore, #tpu.memory_space<semaphore_mem>>) src(%arg16 : memref<80x64xf32, #tpu.memory_space<vmem>>) dst(%dma_wait3A_226 : memref<10240x64xf32, #tpu.memory_space<vmem_shared>>)
      %dma_wait3A_227 = arith.constant 0 : i32
      %dma_wait3A_228 = arith.constant 0 : i32
      %dma_wait3A_229 = tpu.memref_slice %arg11[%dma_wait3A_227, %dma_wait3A_228] : memref<125x80xi32, #tpu.memory_space<vmem>> -> memref<1x80xi32, #tpu.memory_space<vmem>>
      %dma_wait3A_230 = tpu.memref_squeeze %dma_wait3A_229 : memref<1x80xi32, #tpu.memory_space<vmem>> -> memref<80xi32, #tpu.memory_space<vmem>>
      %dma_wait3A_231 = arith.constant 0 : i32
      %dma_wait3A_232 = arith.constant 0 : i32
      %dma_wait3A_233 = tpu.memref_slice %arg14[%dma_wait3A_231, %dma_wait3A_232] : memref<10240x16xf32, #tpu.memory_space<vmem_shared>> -> memref<10240x16xf32, #tpu.memory_space<vmem_shared>>
      tpu.wait_indirect_dma semaphore(%arg31 : memref<!tpu.dma_semaphore, #tpu.memory_space<semaphore_mem>>) src(%arg12 : memref<80x16xf32, #tpu.memory_space<vmem>>) dst(%dma_wait3A_233 : memref<10240x16xf32, #tpu.memory_space<vmem_shared>>)
      %add3A_234 = arith.constant 1 : i32
      %add3A_235 = arith.addi %scan3A_77, %add3A_234 : i32
      %mul3A_236 = arith.constant 5 : i32
      %mul3A_237 = arith.muli %add3A_235, %mul3A_236 : i32
      %add3A_238 = arith.constant 1 : i32
      %add3A_239 = arith.addi %mul3A_237, %add3A_238 : i32
      %min3A_240 = arith.constant 124 : i32
      %min3A_241 = arith.minsi %add3A_239, %min3A_240 : i32
      %dma_start3A_242 = arith.constant 0 : i32
      %dma_start3A_243 = tpu.memref_slice %arg10[%min3A_241, %dma_start3A_242] : memref<125x80xi32, #tpu.memory_space<vmem>> -> memref<1x80xi32, #tpu.memory_space<vmem>>
      %dma_start3A_244 = tpu.memref_squeeze %dma_start3A_243 : memref<1x80xi32, #tpu.memory_space<vmem>> -> memref<80xi32, #tpu.memory_space<vmem>>
      %dma_start3A_245 = arith.constant 0 : i32
      %dma_start3A_246 = arith.constant 0 : i32
      %dma_start3A_247 = tpu.memref_slice %arg2[%dma_start3A_245, %dma_start3A_246] : memref<10000x64xf32, #tpu.memory_space<hbm>> -> memref<10000x64xf32, #tpu.memory_space<hbm>>
      tpu.enqueue_indirect_dma source(%dma_start3A_247 : memref<10000x64xf32, #tpu.memory_space<hbm>>) target(%arg16 : memref<80x64xf32, #tpu.memory_space<vmem>>) offsets(%dma_start3A_244 : memref<80xi32, #tpu.memory_space<vmem>>) semaphore(%arg21 : memref<!tpu.dma_semaphore, #tpu.memory_space<semaphore_mem>>)
      %dma_wait3A_248 = arith.constant 0 : i32
      %dma_wait3A_249 = arith.constant 0 : i32
      %dma_wait3A_250 = tpu.memref_slice %arg11[%dma_wait3A_248, %dma_wait3A_249] : memref<125x80xi32, #tpu.memory_space<vmem>> -> memref<1x80xi32, #tpu.memory_space<vmem>>
      %dma_wait3A_251 = tpu.memref_squeeze %dma_wait3A_250 : memref<1x80xi32, #tpu.memory_space<vmem>> -> memref<80xi32, #tpu.memory_space<vmem>>
      %dma_wait3A_252 = arith.constant 0 : i32
      %dma_wait3A_253 = arith.constant 0 : i32
      %dma_wait3A_254 = tpu.memref_slice %arg13[%dma_wait3A_252, %dma_wait3A_253] : memref<10240x64xf32, #tpu.memory_space<vmem_shared>> -> memref<10240x64xf32, #tpu.memory_space<vmem_shared>>
      tpu.wait_indirect_dma semaphore(%arg27 : memref<!tpu.dma_semaphore, #tpu.memory_space<semaphore_mem>>) src(%arg17 : memref<80x64xf32, #tpu.memory_space<vmem>>) dst(%dma_wait3A_254 : memref<10240x64xf32, #tpu.memory_space<vmem_shared>>)
      %dma_wait3A_255 = arith.constant 0 : i32
      %dma_wait3A_256 = arith.constant 0 : i32
      %dma_wait3A_257 = tpu.memref_slice %arg11[%dma_wait3A_255, %dma_wait3A_256] : memref<125x80xi32, #tpu.memory_space<vmem>> -> memref<1x80xi32, #tpu.memory_space<vmem>>
      %dma_wait3A_258 = tpu.memref_squeeze %dma_wait3A_257 : memref<1x80xi32, #tpu.memory_space<vmem>> -> memref<80xi32, #tpu.memory_space<vmem>>
      %dma_wait3A_259 = arith.constant 0 : i32
      %dma_wait3A_260 = arith.constant 0 : i32
      %dma_wait3A_261 = tpu.memref_slice %arg14[%dma_wait3A_259, %dma_wait3A_260] : memref<10240x16xf32, #tpu.memory_space<vmem_shared>> -> memref<10240x16xf32, #tpu.memory_space<vmem_shared>>
      tpu.wait_indirect_dma semaphore(%arg32 : memref<!tpu.dma_semaphore, #tpu.memory_space<semaphore_mem>>) src(%arg12 : memref<80x16xf32, #tpu.memory_space<vmem>>) dst(%dma_wait3A_261 : memref<10240x16xf32, #tpu.memory_space<vmem_shared>>)
      %add3A_262 = arith.constant 1 : i32
      %add3A_263 = arith.addi %scan3A_77, %add3A_262 : i32
      %mul3A_264 = arith.constant 5 : i32
      %mul3A_265 = arith.muli %add3A_263, %mul3A_264 : i32
      %add3A_266 = arith.constant 2 : i32
      %add3A_267 = arith.addi %mul3A_265, %add3A_266 : i32
      %min3A_268 = arith.constant 124 : i32
      %min3A_269 = arith.minsi %add3A_267, %min3A_268 : i32
      %dma_start3A_270 = arith.constant 0 : i32
      %dma_start3A_271 = tpu.memref_slice %arg10[%min3A_269, %dma_start3A_270] : memref<125x80xi32, #tpu.memory_space<vmem>> -> memref<1x80xi32, #tpu.memory_space<vmem>>
      %dma_start3A_272 = tpu.memref_squeeze %dma_start3A_271 : memref<1x80xi32, #tpu.memory_space<vmem>> -> memref<80xi32, #tpu.memory_space<vmem>>
      %dma_start3A_273 = arith.constant 0 : i32
      %dma_start3A_274 = arith.constant 0 : i32
      %dma_start3A_275 = tpu.memref_slice %arg2[%dma_start3A_273, %dma_start3A_274] : memref<10000x64xf32, #tpu.memory_space<hbm>> -> memref<10000x64xf32, #tpu.memory_space<hbm>>
      tpu.enqueue_indirect_dma source(%dma_start3A_275 : memref<10000x64xf32, #tpu.memory_space<hbm>>) target(%arg17 : memref<80x64xf32, #tpu.memory_space<vmem>>) offsets(%dma_start3A_272 : memref<80xi32, #tpu.memory_space<vmem>>) semaphore(%arg22 : memref<!tpu.dma_semaphore, #tpu.memory_space<semaphore_mem>>)
      %dma_wait3A_276 = arith.constant 0 : i32
      %dma_wait3A_277 = arith.constant 0 : i32
      %dma_wait3A_278 = tpu.memref_slice %arg11[%dma_wait3A_276, %dma_wait3A_277] : memref<125x80xi32, #tpu.memory_space<vmem>> -> memref<1x80xi32, #tpu.memory_space<vmem>>
      %dma_wait3A_279 = tpu.memref_squeeze %dma_wait3A_278 : memref<1x80xi32, #tpu.memory_space<vmem>> -> memref<80xi32, #tpu.memory_space<vmem>>
      %dma_wait3A_280 = arith.constant 0 : i32
      %dma_wait3A_281 = arith.constant 0 : i32
      %dma_wait3A_282 = tpu.memref_slice %arg13[%dma_wait3A_280, %dma_wait3A_281] : memref<10240x64xf32, #tpu.memory_space<vmem_shared>> -> memref<10240x64xf32, #tpu.memory_space<vmem_shared>>
      tpu.wait_indirect_dma semaphore(%arg28 : memref<!tpu.dma_semaphore, #tpu.memory_space<semaphore_mem>>) src(%arg18 : memref<80x64xf32, #tpu.memory_space<vmem>>) dst(%dma_wait3A_282 : memref<10240x64xf32, #tpu.memory_space<vmem_shared>>)
      %dma_wait3A_283 = arith.constant 0 : i32
      %dma_wait3A_284 = arith.constant 0 : i32
      %dma_wait3A_285 = tpu.memref_slice %arg11[%dma_wait3A_283, %dma_wait3A_284] : memref<125x80xi32, #tpu.memory_space<vmem>> -> memref<1x80xi32, #tpu.memory_space<vmem>>
      %dma_wait3A_286 = tpu.memref_squeeze %dma_wait3A_285 : memref<1x80xi32, #tpu.memory_space<vmem>> -> memref<80xi32, #tpu.memory_space<vmem>>
      %dma_wait3A_287 = arith.constant 0 : i32
      %dma_wait3A_288 = arith.constant 0 : i32
      %dma_wait3A_289 = tpu.memref_slice %arg14[%dma_wait3A_287, %dma_wait3A_288] : memref<10240x16xf32, #tpu.memory_space<vmem_shared>> -> memref<10240x16xf32, #tpu.memory_space<vmem_shared>>
      tpu.wait_indirect_dma semaphore(%arg33 : memref<!tpu.dma_semaphore, #tpu.memory_space<semaphore_mem>>) src(%arg12 : memref<80x16xf32, #tpu.memory_space<vmem>>) dst(%dma_wait3A_289 : memref<10240x16xf32, #tpu.memory_space<vmem_shared>>)
      %add3A_290 = arith.constant 1 : i32
      %add3A_291 = arith.addi %scan3A_77, %add3A_290 : i32
      %mul3A_292 = arith.constant 5 : i32
      %mul3A_293 = arith.muli %add3A_291, %mul3A_292 : i32
      %add3A_294 = arith.constant 3 : i32
      %add3A_295 = arith.addi %mul3A_293, %add3A_294 : i32
      %min3A_296 = arith.constant 124 : i32
      %min3A_297 = arith.minsi %add3A_295, %min3A_296 : i32
      %dma_start3A_298 = arith.constant 0 : i32
      %dma_start3A_299 = tpu.memref_slice %arg10[%min3A_297, %dma_start3A_298] : memref<125x80xi32, #tpu.memory_space<vmem>> -> memref<1x80xi32, #tpu.memory_space<vmem>>
      %dma_start3A_300 = tpu.memref_squeeze %dma_start3A_299 : memref<1x80xi32, #tpu.memory_space<vmem>> -> memref<80xi32, #tpu.memory_space<vmem>>
      %dma_start3A_301 = arith.constant 0 : i32
      %dma_start3A_302 = arith.constant 0 : i32
      %dma_start3A_303 = tpu.memref_slice %arg2[%dma_start3A_301, %dma_start3A_302] : memref<10000x64xf32, #tpu.memory_space<hbm>> -> memref<10000x64xf32, #tpu.memory_space<hbm>>
      tpu.enqueue_indirect_dma source(%dma_start3A_303 : memref<10000x64xf32, #tpu.memory_space<hbm>>) target(%arg18 : memref<80x64xf32, #tpu.memory_space<vmem>>) offsets(%dma_start3A_300 : memref<80xi32, #tpu.memory_space<vmem>>) semaphore(%arg23 : memref<!tpu.dma_semaphore, #tpu.memory_space<semaphore_mem>>)
      %dma_wait3A_304 = arith.constant 0 : i32
      %dma_wait3A_305 = arith.constant 0 : i32
      %dma_wait3A_306 = tpu.memref_slice %arg11[%dma_wait3A_304, %dma_wait3A_305] : memref<125x80xi32, #tpu.memory_space<vmem>> -> memref<1x80xi32, #tpu.memory_space<vmem>>
      %dma_wait3A_307 = tpu.memref_squeeze %dma_wait3A_306 : memref<1x80xi32, #tpu.memory_space<vmem>> -> memref<80xi32, #tpu.memory_space<vmem>>
      %dma_wait3A_308 = arith.constant 0 : i32
      %dma_wait3A_309 = arith.constant 0 : i32
      %dma_wait3A_310 = tpu.memref_slice %arg13[%dma_wait3A_308, %dma_wait3A_309] : memref<10240x64xf32, #tpu.memory_space<vmem_shared>> -> memref<10240x64xf32, #tpu.memory_space<vmem_shared>>
      tpu.wait_indirect_dma semaphore(%arg29 : memref<!tpu.dma_semaphore, #tpu.memory_space<semaphore_mem>>) src(%arg19 : memref<80x64xf32, #tpu.memory_space<vmem>>) dst(%dma_wait3A_310 : memref<10240x64xf32, #tpu.memory_space<vmem_shared>>)
      %dma_wait3A_311 = arith.constant 0 : i32
      %dma_wait3A_312 = arith.constant 0 : i32
      %dma_wait3A_313 = tpu.memref_slice %arg11[%dma_wait3A_311, %dma_wait3A_312] : memref<125x80xi32, #tpu.memory_space<vmem>> -> memref<1x80xi32, #tpu.memory_space<vmem>>
      %dma_wait3A_314 = tpu.memref_squeeze %dma_wait3A_313 : memref<1x80xi32, #tpu.memory_space<vmem>> -> memref<80xi32, #tpu.memory_space<vmem>>
      %dma_wait3A_315 = arith.constant 0 : i32
      %dma_wait3A_316 = arith.constant 0 : i32
      %dma_wait3A_317 = tpu.memref_slice %arg14[%dma_wait3A_315, %dma_wait3A_316] : memref<10240x16xf32, #tpu.memory_space<vmem_shared>> -> memref<10240x16xf32, #tpu.memory_space<vmem_shared>>
      tpu.wait_indirect_dma semaphore(%arg34 : memref<!tpu.dma_semaphore, #tpu.memory_space<semaphore_mem>>) src(%arg12 : memref<80x16xf32, #tpu.memory_space<vmem>>) dst(%dma_wait3A_317 : memref<10240x16xf32, #tpu.memory_space<vmem_shared>>)
      %add3A_318 = arith.constant 1 : i32
      %add3A_319 = arith.addi %scan3A_77, %add3A_318 : i32
      %mul3A_320 = arith.constant 5 : i32
      %mul3A_321 = arith.muli %add3A_319, %mul3A_320 : i32
      %add3A_322 = arith.constant 4 : i32
      %add3A_323 = arith.addi %mul3A_321, %add3A_322 : i32
      %min3A_324 = arith.constant 124 : i32
      %min3A_325 = arith.minsi %add3A_323, %min3A_324 : i32
      %dma_start3A_326 = arith.constant 0 : i32
      %dma_start3A_327 = tpu.memref_slice %arg10[%min3A_325, %dma_start3A_326] : memref<125x80xi32, #tpu.memory_space<vmem>> -> memref<1x80xi32, #tpu.memory_space<vmem>>
      %dma_start3A_328 = tpu.memref_squeeze %dma_start3A_327 : memref<1x80xi32, #tpu.memory_space<vmem>> -> memref<80xi32, #tpu.memory_space<vmem>>
      %dma_start3A_329 = arith.constant 0 : i32
      %dma_start3A_330 = arith.constant 0 : i32
      %dma_start3A_331 = tpu.memref_slice %arg2[%dma_start3A_329, %dma_start3A_330] : memref<10000x64xf32, #tpu.memory_space<hbm>> -> memref<10000x64xf32, #tpu.memory_space<hbm>>
      tpu.enqueue_indirect_dma source(%dma_start3A_331 : memref<10000x64xf32, #tpu.memory_space<hbm>>) target(%arg19 : memref<80x64xf32, #tpu.memory_space<vmem>>) offsets(%dma_start3A_328 : memref<80xi32, #tpu.memory_space<vmem>>) semaphore(%arg24 : memref<!tpu.dma_semaphore, #tpu.memory_space<semaphore_mem>>)
    }
    %scan3A_41 = arith.constant 25 : i32
    %dma_wait3A = arith.constant 0 : i32
    %dma_wait3A_42 = arith.constant 0 : i32
    %dma_wait3A_43 = tpu.memref_slice %arg10[%dma_wait3A, %dma_wait3A_42] : memref<125x80xi32, #tpu.memory_space<vmem>> -> memref<1x80xi32, #tpu.memory_space<vmem>>
    %dma_wait3A_44 = tpu.memref_squeeze %dma_wait3A_43 : memref<1x80xi32, #tpu.memory_space<vmem>> -> memref<80xi32, #tpu.memory_space<vmem>>
    %dma_wait3A_45 = arith.constant 0 : i32
    %dma_wait3A_46 = arith.constant 0 : i32
    %dma_wait3A_47 = tpu.memref_slice %arg2[%dma_wait3A_45, %dma_wait3A_46] : memref<10000x64xf32, #tpu.memory_space<hbm>> -> memref<10000x64xf32, #tpu.memory_space<hbm>>
    tpu.wait_indirect_dma semaphore(%arg20 : memref<!tpu.dma_semaphore, #tpu.memory_space<semaphore_mem>>) src(%dma_wait3A_47 : memref<10000x64xf32, #tpu.memory_space<hbm>>) dst(%arg15 : memref<80x64xf32, #tpu.memory_space<vmem>>)
    %dma_wait3A_48 = arith.constant 0 : i32
    %dma_wait3A_49 = arith.constant 0 : i32
    %dma_wait3A_50 = tpu.memref_slice %arg10[%dma_wait3A_48, %dma_wait3A_49] : memref<125x80xi32, #tpu.memory_space<vmem>> -> memref<1x80xi32, #tpu.memory_space<vmem>>
    %dma_wait3A_51 = tpu.memref_squeeze %dma_wait3A_50 : memref<1x80xi32, #tpu.memory_space<vmem>> -> memref<80xi32, #tpu.memory_space<vmem>>
    %dma_wait3A_52 = arith.constant 0 : i32
    %dma_wait3A_53 = arith.constant 0 : i32
    %dma_wait3A_54 = tpu.memref_slice %arg2[%dma_wait3A_52, %dma_wait3A_53] : memref<10000x64xf32, #tpu.memory_space<hbm>> -> memref<10000x64xf32, #tpu.memory_space<hbm>>
    tpu.wait_indirect_dma semaphore(%arg21 : memref<!tpu.dma_semaphore, #tpu.memory_space<semaphore_mem>>) src(%dma_wait3A_54 : memref<10000x64xf32, #tpu.memory_space<hbm>>) dst(%arg16 : memref<80x64xf32, #tpu.memory_space<vmem>>)
    %dma_wait3A_55 = arith.constant 0 : i32
    %dma_wait3A_56 = arith.constant 0 : i32
    %dma_wait3A_57 = tpu.memref_slice %arg10[%dma_wait3A_55, %dma_wait3A_56] : memref<125x80xi32, #tpu.memory_space<vmem>> -> memref<1x80xi32, #tpu.memory_space<vmem>>
    %dma_wait3A_58 = tpu.memref_squeeze %dma_wait3A_57 : memref<1x80xi32, #tpu.memory_space<vmem>> -> memref<80xi32, #tpu.memory_space<vmem>>
    %dma_wait3A_59 = arith.constant 0 : i32
    %dma_wait3A_60 = arith.constant 0 : i32
    %dma_wait3A_61 = tpu.memref_slice %arg2[%dma_wait3A_59, %dma_wait3A_60] : memref<10000x64xf32, #tpu.memory_space<hbm>> -> memref<10000x64xf32, #tpu.memory_space<hbm>>
    tpu.wait_indirect_dma semaphore(%arg22 : memref<!tpu.dma_semaphore, #tpu.memory_space<semaphore_mem>>) src(%dma_wait3A_61 : memref<10000x64xf32, #tpu.memory_space<hbm>>) dst(%arg17 : memref<80x64xf32, #tpu.memory_space<vmem>>)
    %dma_wait3A_62 = arith.constant 0 : i32
    %dma_wait3A_63 = arith.constant 0 : i32
    %dma_wait3A_64 = tpu.memref_slice %arg10[%dma_wait3A_62, %dma_wait3A_63] : memref<125x80xi32, #tpu.memory_space<vmem>> -> memref<1x80xi32, #tpu.memory_space<vmem>>
    %dma_wait3A_65 = tpu.memref_squeeze %dma_wait3A_64 : memref<1x80xi32, #tpu.memory_space<vmem>> -> memref<80xi32, #tpu.memory_space<vmem>>
    %dma_wait3A_66 = arith.constant 0 : i32
    %dma_wait3A_67 = arith.constant 0 : i32
    %dma_wait3A_68 = tpu.memref_slice %arg2[%dma_wait3A_66, %dma_wait3A_67] : memref<10000x64xf32, #tpu.memory_space<hbm>> -> memref<10000x64xf32, #tpu.memory_space<hbm>>
    tpu.wait_indirect_dma semaphore(%arg23 : memref<!tpu.dma_semaphore, #tpu.memory_space<semaphore_mem>>) src(%dma_wait3A_68 : memref<10000x64xf32, #tpu.memory_space<hbm>>) dst(%arg18 : memref<80x64xf32, #tpu.memory_space<vmem>>)
    %dma_wait3A_69 = arith.constant 0 : i32
    %dma_wait3A_70 = arith.constant 0 : i32
    %dma_wait3A_71 = tpu.memref_slice %arg10[%dma_wait3A_69, %dma_wait3A_70] : memref<125x80xi32, #tpu.memory_space<vmem>> -> memref<1x80xi32, #tpu.memory_space<vmem>>
    %dma_wait3A_72 = tpu.memref_squeeze %dma_wait3A_71 : memref<1x80xi32, #tpu.memory_space<vmem>> -> memref<80xi32, #tpu.memory_space<vmem>>
    %dma_wait3A_73 = arith.constant 0 : i32
    %dma_wait3A_74 = arith.constant 0 : i32
    %dma_wait3A_75 = tpu.memref_slice %arg2[%dma_wait3A_73, %dma_wait3A_74] : memref<10000x64xf32, #tpu.memory_space<hbm>> -> memref<10000x64xf32, #tpu.memory_space<hbm>>
    tpu.wait_indirect_dma semaphore(%arg24 : memref<!tpu.dma_semaphore, #tpu.memory_space<semaphore_mem>>) src(%dma_wait3A_75 : memref<10000x64xf32, #tpu.memory_space<hbm>>) dst(%arg19 : memref<80x64xf32, #tpu.memory_space<vmem>>)
    %barrier3A_76 = arith.constant 0 : index
    tpu.barrier barrier_id(%barrier3A_76)
    "tpu.region"() ({
      %run_scoped3A = tpu.sem_alloc : memref<!tpu.dma_semaphore, #tpu.memory_space<semaphore_mem>>
      %dma_start3A_77 = arith.constant 0 : i32
      %dma_start3A_78 = tpu.memref_slice %arg8[%arg0, %mul3A_0, %dma_start3A_77] : memref<2x10240x64xf32, #tpu.memory_space<hbm>> -> memref<1x640x64xf32, #tpu.memory_space<hbm>>
      %dma_start3A_79 = tpu.memref_squeeze %dma_start3A_78 : memref<1x640x64xf32, #tpu.memory_space<hbm>> -> memref<640x64xf32, #tpu.memory_space<hbm>>
      %dma_start3A_80 = arith.constant 0 : i32
      %dma_start3A_81 = tpu.memref_slice %arg13[%mul3A_0, %dma_start3A_80] : memref<10240x64xf32, #tpu.memory_space<vmem_shared>> -> memref<640x64xf32, #tpu.memory_space<vmem_shared>>
      tpu.enqueue_dma source(%dma_start3A_81 : memref<640x64xf32, #tpu.memory_space<vmem_shared>>) target(%dma_start3A_79 : memref<640x64xf32, #tpu.memory_space<hbm>>) target_semaphore(%run_scoped3A : memref<!tpu.dma_semaphore, #tpu.memory_space<semaphore_mem>>)
      %dma_wait3A_82 = arith.constant 0 : i32
      %dma_wait3A_83 = tpu.memref_slice %arg8[%arg0, %mul3A_0, %dma_wait3A_82] : memref<2x10240x64xf32, #tpu.memory_space<hbm>> -> memref<1x640x64xf32, #tpu.memory_space<hbm>>
      %dma_wait3A_84 = tpu.memref_squeeze %dma_wait3A_83 : memref<1x640x64xf32, #tpu.memory_space<hbm>> -> memref<640x64xf32, #tpu.memory_space<hbm>>
      %dma_wait3A_85 = arith.constant 0 : i32
      %dma_wait3A_86 = tpu.memref_slice %arg13[%mul3A_0, %dma_wait3A_85] : memref<10240x64xf32, #tpu.memory_space<vmem_shared>> -> memref<640x64xf32, #tpu.memory_space<vmem_shared>>
      tpu.wait_dma2 semaphore(%run_scoped3A : memref<!tpu.dma_semaphore, #tpu.memory_space<semaphore_mem>>) src(%dma_wait3A_86 : memref<640x64xf32, #tpu.memory_space<vmem_shared>>) dst(%dma_wait3A_84 : memref<640x64xf32, #tpu.memory_space<hbm>>)
      tpu.yield
    }) : () -> ()
    "tpu.region"() ({
      %run_scoped3A = tpu.sem_alloc : memref<!tpu.dma_semaphore, #tpu.memory_space<semaphore_mem>>
      %dma_start3A_77 = arith.constant 0 : i32
      %dma_start3A_78 = tpu.memref_slice %arg9[%arg0, %mul3A_0, %dma_start3A_77] : memref<2x10240x16xf32, #tpu.memory_space<hbm>> -> memref<1x640x16xf32, #tpu.memory_space<hbm>>
      %dma_start3A_79 = tpu.memref_squeeze %dma_start3A_78 : memref<1x640x16xf32, #tpu.memory_space<hbm>> -> memref<640x16xf32, #tpu.memory_space<hbm>>
      %dma_start3A_80 = arith.constant 0 : i32
      %dma_start3A_81 = tpu.memref_slice %arg14[%mul3A_0, %dma_start3A_80] : memref<10240x16xf32, #tpu.memory_space<vmem_shared>> -> memref<640x16xf32, #tpu.memory_space<vmem_shared>>
      tpu.enqueue_dma source(%dma_start3A_81 : memref<640x16xf32, #tpu.memory_space<vmem_shared>>) target(%dma_start3A_79 : memref<640x16xf32, #tpu.memory_space<hbm>>) target_semaphore(%run_scoped3A : memref<!tpu.dma_semaphore, #tpu.memory_space<semaphore_mem>>)
      %dma_wait3A_82 = arith.constant 0 : i32
      %dma_wait3A_83 = tpu.memref_slice %arg9[%arg0, %mul3A_0, %dma_wait3A_82] : memref<2x10240x16xf32, #tpu.memory_space<hbm>> -> memref<1x640x16xf32, #tpu.memory_space<hbm>>
      %dma_wait3A_84 = tpu.memref_squeeze %dma_wait3A_83 : memref<1x640x16xf32, #tpu.memory_space<hbm>> -> memref<640x16xf32, #tpu.memory_space<hbm>>
      %dma_wait3A_85 = arith.constant 0 : i32
      %dma_wait3A_86 = tpu.memref_slice %arg14[%mul3A_0, %dma_wait3A_85] : memref<10240x16xf32, #tpu.memory_space<vmem_shared>> -> memref<640x16xf32, #tpu.memory_space<vmem_shared>>
      tpu.wait_dma2 semaphore(%run_scoped3A : memref<!tpu.dma_semaphore, #tpu.memory_space<semaphore_mem>>) src(%dma_wait3A_86 : memref<640x16xf32, #tpu.memory_space<vmem_shared>>) dst(%dma_wait3A_84 : memref<640x16xf32, #tpu.memory_space<hbm>>)
      tpu.yield
    }) : () -> ()
    return
  }
}

module attributes {stable_mosaic.version = 14 : i64} {
  func.func @_tc1_body(%arg0: i32, %arg1: memref<1000x128xf32, #tpu.memory_space<vmem>>, %arg2: memref<128x64xf32, #tpu.memory_space<vmem>>, %arg3: memref<128x64xf32, #tpu.memory_space<vmem>>, %arg4: memref<64xf32, #tpu.memory_space<vmem>>, %arg5: memref<1000x64xf32, #tpu.memory_space<vmem>>, %arg6: memref<1000x64xf32, #tpu.memory_space<vmem>>) attributes {dimension_semantics = [#tpu.dimension_semantics<arbitrary>], iteration_bounds = array<i64: 10>, scalar_prefetch = 0 : i64, scratch_operands = 0 : i64, tpu.core_type = #tpu.core_type<tc>, window_params = [{transform_indices = @transform_0, window_bounds = array<i64: 1000, 128>}, {pipeline_mode = #tpu.pipeline_mode<synchronous>, transform_indices = @transform_1, window_bounds = array<i64: 128, 64>}, {pipeline_mode = #tpu.pipeline_mode<synchronous>, transform_indices = @transform_2, window_bounds = array<i64: 128, 64>}, {pipeline_mode = #tpu.pipeline_mode<synchronous>, transform_indices = @transform_3, window_bounds = array<i64: 64>}, {transform_indices = @transform_4, window_bounds = array<i64: 1000, 64>}, {transform_indices = @transform_5, window_bounds = array<i64: 1000, 64>}]} {
    %get3A = arith.constant 0 : index
    %get3A_0 = arith.constant 0 : index
    %get3A_1 = vector.load %arg1[%get3A, %get3A_0] : memref<1000x128xf32, #tpu.memory_space<vmem>>, vector<1000x128xf32>
    %get3A_2 = arith.constant 0 : index
    %get3A_3 = arith.constant 0 : index
    %get3A_4 = vector.load %arg2[%get3A_2, %get3A_3] : memref<128x64xf32, #tpu.memory_space<vmem>>, vector<128x64xf32>
    %dot_general3A = arith.constant dense<0.000000e+00> : vector<1000x64xf32>
    %dot_general3A_5 = tpu.matmul %get3A_1, %get3A_4, %dot_general3A {dimension_numbers = #tpu.dot_dimension_numbers<[1], [0], [0], [1], [0, 0, 1, 1], [], []>, transpose_lhs_hint = false} : vector<1000x128xf32>, vector<128x64xf32>, vector<1000x64xf32> -> vector<1000x64xf32>
    %swap3A = arith.constant 0 : index
    %swap3A_6 = arith.constant 0 : index
    %swap3A_7 = vector.load %arg5[%swap3A, %swap3A_6] : memref<1000x64xf32, #tpu.memory_space<vmem>>, vector<1000x64xf32>
    tpu.vector_store %arg5[%swap3A, %swap3A_6], %dot_general3A_5 {strides = array<i32>} : memref<1000x64xf32, #tpu.memory_space<vmem>>, vector<1000x64xf32>,
    %get3A_8 = arith.constant 0 : index
    %get3A_9 = arith.constant 0 : index
    %get3A_10 = vector.load %arg3[%get3A_8, %get3A_9] : memref<128x64xf32, #tpu.memory_space<vmem>>, vector<128x64xf32>
    %dot_general3A_11 = arith.constant dense<0.000000e+00> : vector<1000x64xf32>
    %dot_general3A_12 = tpu.matmul %get3A_1, %get3A_10, %dot_general3A_11 {dimension_numbers = #tpu.dot_dimension_numbers<[1], [0], [0], [1], [0, 0, 1, 1], [], []>, transpose_lhs_hint = false} : vector<1000x128xf32>, vector<128x64xf32>, vector<1000x64xf32> -> vector<1000x64xf32>
    %get3A_13 = arith.constant 0 : index
    %get3A_14 = vector.load %arg4[%get3A_13] : memref<64xf32, #tpu.memory_space<vmem>>, vector<64xf32>
    %broadcast_in_dim3A = vector.shape_cast %get3A_14 : vector<64xf32> to vector<1x64xf32>
    %add3A = vector.broadcast %broadcast_in_dim3A : vector<1x64xf32> to vector<1000x64xf32>
    %add3A_15 = arith.addf %dot_general3A_12, %add3A : vector<1000x64xf32>
    %swap3A_16 = arith.constant 0 : index
    %swap3A_17 = arith.constant 0 : index
    %swap3A_18 = vector.load %arg6[%swap3A_16, %swap3A_17] : memref<1000x64xf32, #tpu.memory_space<vmem>>, vector<1000x64xf32>
    tpu.vector_store %arg6[%swap3A_16, %swap3A_17], %add3A_15 {strides = array<i32>} : memref<1000x64xf32, #tpu.memory_space<vmem>>, vector<1000x64xf32>,
    return
  }
  func.func @transform_0(%arg0: i32) -> (i32, i32) {
    %c0_i32 = arith.constant 0 : i32
    %c0_i32_0 = arith.constant 0 : i32
    return %arg0, %c0_i32 : i32, i32
  }
  func.func @transform_1(%arg0: i32) -> (i32, i32) {
    %c0_i32 = arith.constant 0 : i32
    %c0_i32_0 = arith.constant 0 : i32
    %c0_i32_1 = arith.constant 0 : i32
    return %c0_i32, %c0_i32_0 : i32, i32
  }
  func.func @transform_2(%arg0: i32) -> (i32, i32) {
    %c0_i32 = arith.constant 0 : i32
    %c0_i32_0 = arith.constant 0 : i32
    %c0_i32_1 = arith.constant 0 : i32
    return %c0_i32, %c0_i32_0 : i32, i32
  }
  func.func @transform_3(%arg0: i32) -> i32 {
    %c0_i32 = arith.constant 0 : i32
    %c0_i32_0 = arith.constant 0 : i32
    return %c0_i32 : i32
  }
  func.func @transform_4(%arg0: i32) -> (i32, i32) {
    %c0_i32 = arith.constant 0 : i32
    %c0_i32_0 = arith.constant 0 : i32
    return %arg0, %c0_i32 : i32, i32
  }
  func.func @transform_5(%arg0: i32) -> (i32, i32) {
    %c0_i32 = arith.constant 0 : i32
    %c0_i32_0 = arith.constant 0 : i32
    return %arg0, %c0_i32 : i32, i32
  }
}

module attributes {stable_mosaic.version = 14 : i64} {
  func.func @_tc2_body(%arg0: i32, %arg1: memref<1000x64xf32, #tpu.memory_space<vmem>>, %arg2: memref<2x1000x64xf32, #tpu.memory_space<vmem>>, %arg3: memref<2x1000x16xf32, #tpu.memory_space<vmem>>, %arg4: memref<64x64xf32, #tpu.memory_space<vmem>>, %arg5: memref<64x64xf32, #tpu.memory_space<vmem>>, %arg6: memref<64xf32, #tpu.memory_space<vmem>>, %arg7: memref<1000x64xf32, #tpu.memory_space<vmem>>, %arg8: memref<1000x64xf32, #tpu.memory_space<vmem>>) attributes {dimension_semantics = [#tpu.dimension_semantics<arbitrary>], iteration_bounds = array<i64: 10>, scalar_prefetch = 0 : i64, scratch_operands = 0 : i64, tpu.core_type = #tpu.core_type<tc>, window_params = [{transform_indices = @transform_0, window_bounds = array<i64: 1000, 64>}, {transform_indices = @transform_1, window_bounds = array<i64: 2, 1000, 64>}, {transform_indices = @transform_2, window_bounds = array<i64: 2, 1000, 16>}, {pipeline_mode = #tpu.pipeline_mode<synchronous>, transform_indices = @transform_3, window_bounds = array<i64: 64, 64>}, {pipeline_mode = #tpu.pipeline_mode<synchronous>, transform_indices = @transform_4, window_bounds = array<i64: 64, 64>}, {pipeline_mode = #tpu.pipeline_mode<synchronous>, transform_indices = @transform_5, window_bounds = array<i64: 64>}, {transform_indices = @transform_6, window_bounds = array<i64: 1000, 64>}, {transform_indices = @transform_7, window_bounds = array<i64: 1000, 64>}]} {
    %get3A = arith.constant 0 : index
    %get3A_0 = arith.constant 0 : index
    %get3A_1 = arith.constant 0 : index
    %get3A_2 = vector.load %arg2[%get3A, %get3A_0, %get3A_1] : memref<2x1000x64xf32, #tpu.memory_space<vmem>>, vector<1x1000x64xf32>
    %get3A_3 = vector.shape_cast %get3A_2 : vector<1x1000x64xf32> to vector<1000x64xf32>
    %get3A_4 = arith.constant 1 : index
    %get3A_5 = arith.constant 0 : index
    %get3A_6 = arith.constant 0 : index
    %get3A_7 = vector.load %arg2[%get3A_4, %get3A_5, %get3A_6] : memref<2x1000x64xf32, #tpu.memory_space<vmem>>, vector<1x1000x64xf32>
    %get3A_8 = vector.shape_cast %get3A_7 : vector<1x1000x64xf32> to vector<1000x64xf32>
    %add3A = arith.addf %get3A_3, %get3A_8 : vector<1000x64xf32>
    %get3A_9 = arith.constant 0 : index
    %get3A_10 = arith.constant 0 : index
    %get3A_11 = arith.constant 0 : index
    %get3A_12 = vector.load %arg3[%get3A_9, %get3A_10, %get3A_11] : memref<2x1000x16xf32, #tpu.memory_space<vmem>>, vector<1x1000x16xf32>
    %get3A_13 = vector.shape_cast %get3A_12 : vector<1x1000x16xf32> to vector<1000x16xf32>
    %slice3A = vector.extract_strided_slice %get3A_13 {offsets = [0, 0], sizes = [1000, 1], strides = [1, 1]} : vector<1000x16xf32> to vector<1000x1xf32>
    %get3A_14 = arith.constant 1 : index
    %get3A_15 = arith.constant 0 : index
    %get3A_16 = arith.constant 0 : index
    %get3A_17 = vector.load %arg3[%get3A_14, %get3A_15, %get3A_16] : memref<2x1000x16xf32, #tpu.memory_space<vmem>>, vector<1x1000x16xf32>
    %get3A_18 = vector.shape_cast %get3A_17 : vector<1x1000x16xf32> to vector<1000x16xf32>
    %slice3A_19 = vector.extract_strided_slice %get3A_18 {offsets = [0, 0], sizes = [1000, 1], strides = [1, 1]} : vector<1000x16xf32> to vector<1000x1xf32>
    %add3A_20 = arith.addf %slice3A, %slice3A_19 : vector<1000x1xf32>
    %max3A = arith.constant 1.000000e+00 : f32
    %max3A_21 = vector.broadcast %max3A : f32 to vector<1000x1xf32>
    %max3A_22 = arith.maximumf %add3A_20, %max3A_21 : vector<1000x1xf32>
    %get3A_23 = arith.constant 0 : index
    %get3A_24 = arith.constant 0 : index
    %get3A_25 = vector.load %arg1[%get3A_23, %get3A_24] : memref<1000x64xf32, #tpu.memory_space<vmem>>, vector<1000x64xf32>
    %div3A = vector.broadcast %max3A_22 : vector<1000x1xf32> to vector<1000x64xf32>
    %div3A_26 = arith.divf %add3A, %div3A : vector<1000x64xf32>
    %add3A_27 = arith.addf %get3A_25, %div3A_26 : vector<1000x64xf32>
    %max3A_28 = arith.constant 0.000000e+00 : f32
    %max3A_29 = vector.broadcast %max3A_28 : f32 to vector<1000x64xf32>
    %max3A_30 = arith.maximumf %add3A_27, %max3A_29 : vector<1000x64xf32>
    %get3A_31 = arith.constant 0 : index
    %get3A_32 = arith.constant 0 : index
    %get3A_33 = vector.load %arg4[%get3A_31, %get3A_32] : memref<64x64xf32, #tpu.memory_space<vmem>>, vector<64x64xf32>
    %dot_general3A = arith.constant dense<0.000000e+00> : vector<1000x64xf32>
    %dot_general3A_34 = tpu.matmul %max3A_30, %get3A_33, %dot_general3A {dimension_numbers = #tpu.dot_dimension_numbers<[1], [0], [0], [1], [0, 0, 1, 1], [], []>, transpose_lhs_hint = false} : vector<1000x64xf32>, vector<64x64xf32>, vector<1000x64xf32> -> vector<1000x64xf32>
    %swap3A = arith.constant 0 : index
    %swap3A_35 = arith.constant 0 : index
    %swap3A_36 = vector.load %arg7[%swap3A, %swap3A_35] : memref<1000x64xf32, #tpu.memory_space<vmem>>, vector<1000x64xf32>
    tpu.vector_store %arg7[%swap3A, %swap3A_35], %dot_general3A_34 {strides = array<i32>} : memref<1000x64xf32, #tpu.memory_space<vmem>>, vector<1000x64xf32>,
    %get3A_37 = arith.constant 0 : index
    %get3A_38 = arith.constant 0 : index
    %get3A_39 = vector.load %arg5[%get3A_37, %get3A_38] : memref<64x64xf32, #tpu.memory_space<vmem>>, vector<64x64xf32>
    %dot_general3A_40 = arith.constant dense<0.000000e+00> : vector<1000x64xf32>
    %dot_general3A_41 = tpu.matmul %max3A_30, %get3A_39, %dot_general3A_40 {dimension_numbers = #tpu.dot_dimension_numbers<[1], [0], [0], [1], [0, 0, 1, 1], [], []>, transpose_lhs_hint = false} : vector<1000x64xf32>, vector<64x64xf32>, vector<1000x64xf32> -> vector<1000x64xf32>
    %get3A_42 = arith.constant 0 : index
    %get3A_43 = vector.load %arg6[%get3A_42] : memref<64xf32, #tpu.memory_space<vmem>>, vector<64xf32>
    %broadcast_in_dim3A = vector.shape_cast %get3A_43 : vector<64xf32> to vector<1x64xf32>
    %add3A_44 = vector.broadcast %broadcast_in_dim3A : vector<1x64xf32> to vector<1000x64xf32>
    %add3A_45 = arith.addf %dot_general3A_41, %add3A_44 : vector<1000x64xf32>
    %swap3A_46 = arith.constant 0 : index
    %swap3A_47 = arith.constant 0 : index
    %swap3A_48 = vector.load %arg8[%swap3A_46, %swap3A_47] : memref<1000x64xf32, #tpu.memory_space<vmem>>, vector<1000x64xf32>
    tpu.vector_store %arg8[%swap3A_46, %swap3A_47], %add3A_45 {strides = array<i32>} : memref<1000x64xf32, #tpu.memory_space<vmem>>, vector<1000x64xf32>,
    return
  }
  func.func @transform_0(%arg0: i32) -> (i32, i32) {
    %c0_i32 = arith.constant 0 : i32
    %c0_i32_0 = arith.constant 0 : i32
    return %arg0, %c0_i32 : i32, i32
  }
  func.func @transform_1(%arg0: i32) -> (i32, i32, i32) {
    %c0_i32 = arith.constant 0 : i32
    %c0_i32_0 = arith.constant 0 : i32
    %c0_i32_1 = arith.constant 0 : i32
    return %c0_i32, %arg0, %c0_i32_0 : i32, i32, i32
  }
  func.func @transform_2(%arg0: i32) -> (i32, i32, i32) {
    %c0_i32 = arith.constant 0 : i32
    %c0_i32_0 = arith.constant 0 : i32
    %c0_i32_1 = arith.constant 0 : i32
    return %c0_i32, %arg0, %c0_i32_0 : i32, i32, i32
  }
  func.func @transform_3(%arg0: i32) -> (i32, i32) {
    %c0_i32 = arith.constant 0 : i32
    %c0_i32_0 = arith.constant 0 : i32
    %c0_i32_1 = arith.constant 0 : i32
    return %c0_i32, %c0_i32_0 : i32, i32
  }
  func.func @transform_4(%arg0: i32) -> (i32, i32) {
    %c0_i32 = arith.constant 0 : i32
    %c0_i32_0 = arith.constant 0 : i32
    %c0_i32_1 = arith.constant 0 : i32
    return %c0_i32, %c0_i32_0 : i32, i32
  }
  func.func @transform_5(%arg0: i32) -> i32 {
    %c0_i32 = arith.constant 0 : i32
    %c0_i32_0 = arith.constant 0 : i32
    return %c0_i32 : i32
  }
  func.func @transform_6(%arg0: i32) -> (i32, i32) {
    %c0_i32 = arith.constant 0 : i32
    %c0_i32_0 = arith.constant 0 : i32
    return %arg0, %c0_i32 : i32, i32
  }
  func.func @transform_7(%arg0: i32) -> (i32, i32) {
    %c0_i32 = arith.constant 0 : i32
    %c0_i32_0 = arith.constant 0 : i32
    return %arg0, %c0_i32 : i32, i32
  }
}

module attributes {stable_mosaic.version = 14 : i64} {
  func.func @_tc3_body(%arg0: i32, %arg1: memref<1000x64xf32, #tpu.memory_space<vmem>>, %arg2: memref<2x1000x64xf32, #tpu.memory_space<vmem>>, %arg3: memref<2x1000x16xf32, #tpu.memory_space<vmem>>, %arg4: memref<1000x64xf32, #tpu.memory_space<vmem>>) attributes {dimension_semantics = [#tpu.dimension_semantics<arbitrary>], iteration_bounds = array<i64: 10>, scalar_prefetch = 0 : i64, scratch_operands = 0 : i64, tpu.core_type = #tpu.core_type<tc>, window_params = [{transform_indices = @transform_0, window_bounds = array<i64: 1000, 64>}, {transform_indices = @transform_1, window_bounds = array<i64: 2, 1000, 64>}, {transform_indices = @transform_2, window_bounds = array<i64: 2, 1000, 16>}, {transform_indices = @transform_3, window_bounds = array<i64: 1000, 64>}]} {
    %get3A = arith.constant 0 : index
    %get3A_0 = arith.constant 0 : index
    %get3A_1 = arith.constant 0 : index
    %get3A_2 = vector.load %arg2[%get3A, %get3A_0, %get3A_1] : memref<2x1000x64xf32, #tpu.memory_space<vmem>>, vector<1x1000x64xf32>
    %get3A_3 = vector.shape_cast %get3A_2 : vector<1x1000x64xf32> to vector<1000x64xf32>
    %get3A_4 = arith.constant 1 : index
    %get3A_5 = arith.constant 0 : index
    %get3A_6 = arith.constant 0 : index
    %get3A_7 = vector.load %arg2[%get3A_4, %get3A_5, %get3A_6] : memref<2x1000x64xf32, #tpu.memory_space<vmem>>, vector<1x1000x64xf32>
    %get3A_8 = vector.shape_cast %get3A_7 : vector<1x1000x64xf32> to vector<1000x64xf32>
    %add3A = arith.addf %get3A_3, %get3A_8 : vector<1000x64xf32>
    %get3A_9 = arith.constant 0 : index
    %get3A_10 = arith.constant 0 : index
    %get3A_11 = arith.constant 0 : index
    %get3A_12 = vector.load %arg3[%get3A_9, %get3A_10, %get3A_11] : memref<2x1000x16xf32, #tpu.memory_space<vmem>>, vector<1x1000x16xf32>
    %get3A_13 = vector.shape_cast %get3A_12 : vector<1x1000x16xf32> to vector<1000x16xf32>
    %slice3A = vector.extract_strided_slice %get3A_13 {offsets = [0, 0], sizes = [1000, 1], strides = [1, 1]} : vector<1000x16xf32> to vector<1000x1xf32>
    %get3A_14 = arith.constant 1 : index
    %get3A_15 = arith.constant 0 : index
    %get3A_16 = arith.constant 0 : index
    %get3A_17 = vector.load %arg3[%get3A_14, %get3A_15, %get3A_16] : memref<2x1000x16xf32, #tpu.memory_space<vmem>>, vector<1x1000x16xf32>
    %get3A_18 = vector.shape_cast %get3A_17 : vector<1x1000x16xf32> to vector<1000x16xf32>
    %slice3A_19 = vector.extract_strided_slice %get3A_18 {offsets = [0, 0], sizes = [1000, 1], strides = [1, 1]} : vector<1000x16xf32> to vector<1000x1xf32>
    %add3A_20 = arith.addf %slice3A, %slice3A_19 : vector<1000x1xf32>
    %max3A = arith.constant 1.000000e+00 : f32
    %max3A_21 = vector.broadcast %max3A : f32 to vector<1000x1xf32>
    %max3A_22 = arith.maximumf %add3A_20, %max3A_21 : vector<1000x1xf32>
    %get3A_23 = arith.constant 0 : index
    %get3A_24 = arith.constant 0 : index
    %get3A_25 = vector.load %arg1[%get3A_23, %get3A_24] : memref<1000x64xf32, #tpu.memory_space<vmem>>, vector<1000x64xf32>
    %div3A = vector.broadcast %max3A_22 : vector<1000x1xf32> to vector<1000x64xf32>
    %div3A_26 = arith.divf %add3A, %div3A : vector<1000x64xf32>
    %add3A_27 = arith.addf %get3A_25, %div3A_26 : vector<1000x64xf32>
    %swap3A = arith.constant 0 : index
    %swap3A_28 = arith.constant 0 : index
    %swap3A_29 = vector.load %arg4[%swap3A, %swap3A_28] : memref<1000x64xf32, #tpu.memory_space<vmem>>, vector<1000x64xf32>
    tpu.vector_store %arg4[%swap3A, %swap3A_28], %add3A_27 {strides = array<i32>} : memref<1000x64xf32, #tpu.memory_space<vmem>>, vector<1000x64xf32>,
    return
  }
  func.func @transform_0(%arg0: i32) -> (i32, i32) {
    %c0_i32 = arith.constant 0 : i32
    %c0_i32_0 = arith.constant 0 : i32
    return %arg0, %c0_i32 : i32, i32
  }
  func.func @transform_1(%arg0: i32) -> (i32, i32, i32) {
    %c0_i32 = arith.constant 0 : i32
    %c0_i32_0 = arith.constant 0 : i32
    %c0_i32_1 = arith.constant 0 : i32
    return %c0_i32, %arg0, %c0_i32_0 : i32, i32, i32
  }
  func.func @transform_2(%arg0: i32) -> (i32, i32, i32) {
    %c0_i32 = arith.constant 0 : i32
    %c0_i32_0 = arith.constant 0 : i32
    %c0_i32_1 = arith.constant 0 : i32
    return %c0_i32, %arg0, %c0_i32_0 : i32, i32, i32
  }
  func.func @transform_3(%arg0: i32) -> (i32, i32) {
    %c0_i32 = arith.constant 0 : i32
    %c0_i32_0 = arith.constant 0 : i32
    return %arg0, %c0_i32 : i32, i32
  }
}

</mosaic_0001>

<sc_bundles>
// kernel: kernel.10.cloned.1.call-start
scs
__scs_entry_jumppad:
0x0: {  	(pc) =	sbr.rel $0x88, $3  }
0x1: {  	(tag) =	ssettag $0x0;
	lr =	simm.s32 $0x1  }
0x2: {  	[smem:$0x3F99] =	sst lr;
	_ =	strace $0xD0000000  }
0x3: {  	_ = 	snop  }
0x4: {  	_ = 	snop  }
0x5: {  	_ = 	snop  }
0x6: {  	_ = 	snop  }
0x7: {  	_ = 	snop  }
__scs_overlays_trampoline_lowered:
0x8: {  	[smem:$0x3FA8] =	sst s0  }
0x9: {  	[smem:$0x3FA9] =	sst s1  }
0xa: {  	[smem:$0x3FAA] =	sst s2  }
0xb: {  	[smem:$0x3FAB] =	sst s3  }
0xc: {  	[smem:$0x3FAC] =	sst s4  }
0xd: {  	[smem:$0x3FAD] =	sst s5  }
0xe: {  	[smem:$0x3FAE] =	sst s6  }
0xf: {  	[smem:$0x3FAF] =	sst s7  }
0x10: {  	[smem:$0x3FB0] =	sst s8  }
0x11: {  	[smem:$0x3FB1] =	sst s9;
	s0 =	simm.s32 @!p0 $0x0  }
0x12: {  	s1 =	sld [smem:$0x3F97];
	s0 =	simm.s32 @p0 $0x1  }
0x13: {  	[smem:$0x3FB2] =	sst s0;
	s0 =	simm.s32 @!p1 $0x0  }
0x14: {  	s2 =	sld [smem:$0x3F96];
	s0 =	simm.s32 @p1 $0x1  }
0x15: {  	[smem:$0x3FB3] =	sst s0;
	s0 =	simm.s32 @!p2 $0x0  }
0x16: {  	s3 =	sld [smem:$0x3FDB];
	s0 =	simm.s32 @p2 $0x1  }
0x17: {  	s4 =	simm.s32 $0x1BF5;
	[smem:$0x3FB5] =	sst s0  }
0x18: {  	s0 =	sld [smem:$0x3F98];
	_ =	swait.ge [sflag:s4], $0x0  }
0x19: {  	s7 =	sld [smem:$0x3F99]  }
0x1a: {  	s8 =	sadd.s32 $0xFFFFE003, lr  }
0x1b: {  	s9 =	sadd.s32 $0xFFFFFEF7, lr;
	s5 =	simm.s32 $0xFFFFFFFF;
	p2 =	slt.u32 s8, $0xFFFFF086  }
0x1c: {  	p1 =	slt.u32 s9, $0xF7A;
	s5 =	simm.s32 @!p2 $0x0  }
0x1d: {  	s5 =	simm.s32 @p1 $0x1;
	p0 =	seq.s32 s7, s2  }
0x1e: {  	s7 =	smul.u32 @!p0 $0xF7A, s2;
	p2 =	seq.s32 @!p0 s5, $0x0  }
0x1f: {  	s9 =	smul.u32 $0xF7A, s1;
	s8 =	simm.s32 @!p0 $0x1BF5;
	p2 =	por !p2, p0  }
0x20: {  	[sflag:s8] =	ssyncset.s32 @!p0 $0xFFFFF086;
	s6 =	sadd.s32 @!p0 s3, s7;
	s7 =	simm.s32 @!p0 $0x108  }
0x21: {  	s3 =	sadd.s32 s3, s9;
	s6 =	sadd.s32 @!p0 $0x88, s6;
	s7 =	simm.s32 @p2 $0x1082  }
0x22: {  	[simem:s7], [sflag:s8] =	dma.local @!p0 [hbm:s6], $0xF7A  }
0x23: {  	s9 =	sor.u32 $0xD0000000, s2;
	s6 =	simm.s32 $0x108;
	_ =	swait.ge @!p0 [sflag:s8], $0x0  }
0x24: {  	s3 =	sadd.s32 $0x88, s3;
	s6 =	simm.s32 @!p1 $0x1082;
	[sflag:s4] =	ssyncset.s32 $0xFFFFF086  }
0x25: {  	[simem:s6], [sflag:s4] =	dma.local [hbm:s3], $0xF7A  }
0x26: {  	[smem:$0x3F99] =	sst s1;
	(tag) =	ssettag s2;
	_ =	strace s9  }
0x27: {  	s1 =	sld [smem:$0x3FA9]  }
0x28: {  	s2 =	sld [smem:$0x3FAA]  }
0x29: {  	s4 =	sld [smem:$0x3FAC]  }
0x2a: {  	p0 =	seq.s32 s5, $0x0;
	s5 =	sld [smem:$0x3FAD]  }
0x2b: {  	s6 =	sld [smem:$0x3FAE]  }
0x2c: {  	s7 =	sld [smem:$0x3FAF]  }
0x2d: {  	s3 =	simm.s32 $0x108;
	s8 =	sld [smem:$0x3FB0]  }
0x2e: {  	s3 =	simm.s32 @!p0 $0x1082;
	s9 =	sld [smem:$0x3FB1]  }
0x2f: {  	lr =	sadd.s32 s0, s3;
	s0 =	sld [smem:$0x3FA8]  }
0x30: {  	s3 =	sld [smem:$0x3FAB]  }
0x31: {  	[smem:$0x3FB4] =	sst s10  }
0x32: {  	s10 =	sld [smem:$0x3FB2];
	_ =	sdelay $0x3  }
0x33: {  	p0 =	seq.s32 s10, $0x1;
	s10 =	sld [smem:$0x3FB4];
	_ =	sdelay $0x3  }
0x34: {  	[smem:$0x3FB4] =	sst s10  }
0x35: {  	s10 =	sld [smem:$0x3FB3];
	_ =	sdelay $0x3  }
0x36: {  	p1 =	seq.s32 s10, $0x1;
	s10 =	sld [smem:$0x3FB4];
	_ =	sdelay $0x3  }
0x37: {  	[smem:$0x3FB4] =	sst s10  }
0x38: {  	s10 =	sld [smem:$0x3FB5]  }
0x39: {  	_ = 	snop;
	(pc) =	sbr.ind lr, $3  }
0x3a: {  	_ = 	snop  }
0x3b: {  	_ = 	snop  }
0x3c: {  	p2 =	seq.s32 s10, $0x1;
	s10 =	sld [smem:$0x3FB4]  }
0x3d: {  	_ =	shalt  }
0x3e: {  	_ =	shalt  }
0x3f: {  	_ =	shalt  }
0x40: {  	_ =	shalt  }
0x41: {  	_ =	shalt  }
0x42: {  	_ =	shalt  }
0x43: {  	_ =	shalt  }
0x44: {  	_ =	shalt  }
0x45: {  	_ =	shalt  }
0x46: {  	_ =	shalt  }
0x47: {  	_ =	shalt  }
0x48: {  	_ =	shalt  }
0x49: {  	_ =	shalt  }
0x4a: {  	_ =	shalt  }
0x4b: {  	_ =	shalt  }
0x4c: {  	_ =	shalt  }
0x4d: {  	_ =	shalt  }
0x4e: {  	_ =	shalt  }
0x4f: {  	_ =	shalt  }
0x50: {  	_ =	shalt  }
0x51: {  	_ =	shalt  }
0x52: {  	_ =	shalt  }
0x53: {  	_ =	shalt  }
0x54: {  	_ =	shalt  }
0x55: {  	_ =	shalt  }
0x56: {  	_ =	shalt  }
0x57: {  	_ =	shalt  }
0x58: {  	_ =	shalt  }
0x59: {  	_ =	shalt  }
0x5a: {  	_ =	shalt  }
0x5b: {  	_ =	shalt  }
0x5c: {  	_ =	shalt  }
0x5d: {  	_ =	shalt  }
0x5e: {  	_ =	shalt  }
0x5f: {  	_ =	shalt  }
0x60: {  	_ =	shalt  }
0x61: {  	_ =	shalt  }
0x62: {  	_ =	shalt  }
0x63: {  	_ =	shalt  }
0x64: {  	_ =	shalt  }
0x65: {  	_ =	shalt  }
0x66: {  	_ =	shalt  }
0x67: {  	_ =	shalt  }
0x68: {  	_ =	shalt  }
0x69: {  	_ =	shalt  }
0x6a: {  	_ =	shalt  }
0x6b: {  	_ =	shalt  }
0x6c: {  	_ =	shalt  }
0x6d: {  	_ =	shalt  }
0x6e: {  	_ =	shalt  }
0x6f: {  	_ =	shalt  }
0x70: {  	_ =	shalt  }
0x71: {  	_ =	shalt  }
0x72: {  	_ =	shalt  }
0x73: {  	_ =	shalt  }
0x74: {  	_ =	shalt  }
0x75: {  	_ =	shalt  }
0x76: {  	_ =	shalt  }
0x77: {  	_ =	shalt  }
0x78: {  	_ =	shalt  }
0x79: {  	_ =	shalt  }
0x7a: {  	_ =	shalt  }
0x7b: {  	_ =	shalt  }
0x7c: {  	_ =	shalt  }
0x7d: {  	_ =	shalt  }
0x7e: {  	_ =	shalt  }
0x7f: {  	_ =	shalt  }
0x80: {  	_ =	shalt  }
0x81: {  	_ =	shalt  }
0x82: {  	_ =	shalt  }
0x83: {  	_ =	shalt  }
0x84: {  	_ =	shalt  }
0x85: {  	_ =	shalt  }
0x86: {  	_ =	shalt  }
0x87: {  	_ =	shalt  }
.Lfunc_end0:
.L_simem_size_0:
called_computation.1_lowered:
.L_overlay_start_0:
0x88: {  	s2 =	sld [smem:$0x3FD9]  }
0x89: {  	s3 =	sld [smem:$0x3FFE];
	_ =	sdelay $0x1  }
0x8a: {  	s1 =	srdreg.scid  }
0x8b: {  	s0 =	sand.u32 $0x1, s1  }
0x8c: {  	s17 =	sshll.u32 s0, $0xA;
	s2 =	sadd.s32 s3, s2  }
0x8d: {  	s2 =	sadd.s32 s2, s17  }
0x8e: {  	[smem:$0x3FC0] =	sst s2  }
0x8f: {  	_ = 	snop  }
0x90: {  	s2 =	sld [smem:$0x3FD0];
	(tm) =	ssettm $0x1  }
0x91: {  	s18 =	sld [smem:$0x3FFB];
	_ =	sdelay $0x3  }
0x92: {  	_ =	strace s18  }
0x93: {  	s3 =	sld [smem:$0x3FFC];
	_ =	sdelay $0x3  }
0x94: {  	_ =	strace s3  }
0x95: {  	s3 =	sld [smem:$0x3FFD];
	_ =	sdelay $0x3  }
0x96: {  	_ =	strace s3  }
0x97: {  	_ =	strace $0x8FFFFFFF  }
0x98: {  	s19 =	sld [smem:$0x3FDB];
	_ =	sdelay $0x1  }
0x99: {  	s4 =	simm.s32 $_scs_section_size  }
0x9a: {  	s5 =	simm.s32 $_size__tile_overlayer_lowered;
	s6 =	simm.s32 $_tile_overlayer_lowered  }
0x9b: {  	s22 =	simm.s32 $0x1BFF;
	s21 =	sshll.u32 s6, $0x1;
	s3 =	sadd.s32 s4, s19  }
0x9c: {  	s7 =	simm.s32 $0x0;
	s20 =	sshll.u32 s5, $0x1;
	s5 =	sadd.s32 s21, s3  }
0x9d: {  	[timem:s7], [sflag:s22] =	dma.local [hbm:s5], s20  }
0x9e: {  	_ =	swait.ge [sflag:s22], s20  }
0x9f: {  	s4 =	ssub.s32 $0x0, s20;
	[sflag:s22] =	ssyncset.done $0x0  }
0xa0: {  	[sflag:s22] =	ssyncadd.s32 s4;
	_ =	sdelay $0x1  }
0xa1: {  	s23 =	simm.s32 $0x1B8B  }
0xa2: {  	_ =	swait.ge [sflag:s23], $0x1  }
0xa3: {  	[sflag:s23] =	ssyncset.done $0x0  }
0xa4: {  	s25 =	simm.s32 $0x1B8E;
	s24 =	sld [smem:$0x3FFE];
	[sflag:s23] =	ssyncadd.s32 $0xFFFFFFFF  }
0xa5: {  	s26 =	simm.s32 $execute0_lowered;
	[smem:$0x3FD2] =	sst s25  }
0xa6: {  	s5 =	sshll.u32 s26, $0x1;
	_ =	strace $0x80000049;
	[dreg:$0x1] =	wrdreg $0xFFFFFFFF  }
0xa7: {  	s28 =	simm.s32 $_size_execute0_lowered;
	s3 =	sadd.s32 s3, s5;
	[dreg:$0x0] =	wrdreg $0x0  }
0xa8: {  	s5 =	sshll.u32 s28, $0x1;
	[dreg:$0x2] =	wrdreg s3  }
0xa9: {  	[dreg:$0x3] =	wrdreg s5  }
0xaa: {  	[dreg:$0x4] =	wrdreg $0xC0  }
0xab: {  	_ =	task [dreg:s7], $0x5FFFF  }
0xac: {  	[dreg:$0x1] =	wrdreg $0xFFFFFFFF  }
0xad: {  	[dreg:$0x0] =	wrdreg $0x60  }
0xae: {  	[dreg:$0x2] =	wrdreg s2  }
0xaf: {  	[dreg:$0x3] =	wrdreg s24  }
0xb0: {  	[dreg:$0x4] =	wrdreg $0x4E200  }
0xb1: {  	[dreg:$0x5] =	wrdreg $0x9  }
0xb2: {  	_ =	task.clear_ibuf [dreg:s7], $0x6FFFF;
	_ =	strace $0x90000049  }
0xb3: {  	s29 =	simm.s32 $0x9;
	_ =	strace $0x8000004B  }
0xb4: {  	_ =	swait.ge [sflag:s29], $0x1  }
0xb5: {  	[sflag:s29] =	ssyncadd.s32 $0xFFFFFFFF  }
0xb6: {  	_ =	strace $0x9000004B  }
0xb7: {  	_ =	sfence  }
0xb8: {  	s30 =	sld [smem:$0x0];
	_ =	sdelay $0x2  }
0xb9: {  	s31 =	sshll.u32 s1, $0xD;
	s1 =	sshrl.u32 s1, $0x2  }
0xba: {  	s3 =	sand.u32 $0x4000, s31;
	s1 =	sadd.s32 s1, s30  }
0xbb: {  	s0 =	sor.u32 s3, s0;
	s1 =	sshll.u32 s1, $0x11  }
0xbc: {  	s0 =	sor.u32 s1, s0  }
0xbd: {  	s0 =	sadd.s32 $0x8F2B, s0  }
0xbe: {  	[sflag:s0] =	ssyncadd.remote.s32 $0x1  }
0xbf: {  	_ =	sfence.sel $0xFFFF  }
0xc0: {  	[dreg:$0x0] =	wrdreg $0xFFFFFFFF;
	(pc) =	sbr.abs _section_cstart, $3  }
0xc1: {  	[dreg:$0x1] =	wrdreg $0xFFFFFFFF  }
0xc2: {  	_ =	task.clear_ibuf [dreg:s7], $0x2FFFF;
	_ =	strace $0x9FFFFFFF  }
0xc3: {  	(tm) =	ssettm $0x7FFFFFFF  }
tec
execute0_lowered:
.L_overlay_start_1:
0x0: {  	(tag) =	ssettag $0x1  }
0x1: {  	s0 =	srdreg.scid;
	s1 =	rddreg [dreg:$0x0]  }
0x2: {  	s11 =	stileid.u32;
	s5 =	rddreg [dreg:$0x1]  }
0x3: {  	s3 =	rddreg [dreg:$0x2];
	s4 =	simm.s32 $0x0;
	s12 =	simm.s32 $0xB  }
0x4: {  	s14 =	simm.s32 $0x50;
	s15 =	simm.s32 $0xEE20;
	s16 =	simm.s32 $0x10220  }
0x5: {  	s18 =	simm.s32 $0x11620;
	s20 =	simm.s32 $0x12A20;
	s22 =	simm.s32 $0x13E20  }
0x6: {  	s23 =	simm.s32 $0x1;
	s28 =	simm.s32 $0x5;
	s29 =	simm.s32 $0x6  }
0x7: {  	s30 =	simm.s32 $0x7;
	s31 =	simm.s32 $0x8;
	s17 =	simm.s32 $0x26C0  }
0x8: {  	s19 =	simm.s32 $0x0;
	s0 =	sand.u32 $0x1, s0;
	s6 =	smul.u32 $0xA000, s11  }
0x9: {  	[smem:$0x7FF] =	sst s4;
	s24 =	sshll.u32 s11, $0x6;
	s2 =	sshll.u32 s0, $0x4  }
0xa: {  	s7 =	smul.u32 $0xA0000, s0;
	_ =	strace $0x8000004A;
	s0 =	ssub.s32 $0x2, s0  }
0xb: {  	s2 =	sor.u32 s11, s2;
	s8 =	sshrl.u32 s6, $0x3;
	s9 =	sshrl.u32 s0, $0x1  }
0xc: {  	s25 =	sadd.s32 s6, s3;
	s2 =	smul.u32 $0x4E2, s2;
	s7 =	sadd.s32 s6, s7  }
0xd: {  	s8 =	sadd.s32 s8, s5;
	s0 =	ssub.s32 s0, s9;
	s6 =	sor.u32 $0x1C0B, s24  }
0xe: {  	s11 =	sshrl.u32 s25, $0x3;
	s24 =	simm.s32 $0x2;
	s25 =	simm.s32 $0x3  }
0xf: {  	s7 =	sshrl.u32 s7, $0x3;
	s26 =	sadd.s32 $0x1A200, s8;
	s2 =	sadd.s32 s2, s5  }
0x10: {  	s10 =	sadd.s32 s7, s5;
	[dreg:$0x4] =	wrdreg s26;
	s26 =	simm.s32 $0x4  }
0x11: {  	s7 =	sadd.s32 $0xB200, s2;
	s8 =	sadd.s32 $0x1400, s2;
	s9 =	sadd.s32 $0x2E200, s10  }
0x12: {  	s10 =	smax.u32 s0, $0x1;
	s2 =	simm.s32 $0x9;
	s0 =	simm.s32 $0xA  }
.LBB2_1:
0x13: {  	s5 =	rddreg [dreg:$0x4]  }
0x14: {  	[spmem:s11], [sflag:s6] =	dma.local [hbm:s5], $0x1400  }
0x15: {  	_ =	swait.ge [sflag:s12], $0x1400  }
0x16: {  	[sflag:s12] =	ssyncset.done $0x0  }
0x17: {  	[sflag:s12] =	ssyncadd.s32 $0xFFFFEC00  }
0x18: {  	[tilespmem:s4], [sflag:$0xB] =	stream.linear.gather [hbm4b:s7+s4], $0x2710, $0x38;
	[tilespmem:$0x15220] =	vst v63  }
0x19: {  	_ =	swait.ge [sflag:s12], $0x2710  }
0x1a: {  	[sflag:s12] =	ssyncset.done $0x0  }
0x1b: {  	s13 =	simm.s32 $0x2710;
	[sflag:s12] =	ssyncadd.s32 $0xFFFFD8F0  }
0x1c: {  	[tilespmem:s13], [sflag:$0xB] =	stream.linear.gather [hbm4b:s8+s4], $0x2710, $0x38;
	[tilespmem:$0x15220] =	vst v63  }
0x1d: {  	_ =	swait.ge [sflag:s12], $0x2710  }
0x1e: {  	[sflag:s12] =	ssyncset.done $0x0  }
0x1f: {  	[sflag:s12] =	ssyncadd.s32 $0xFFFFD8F0  }
0x20: {  	[bflag:$0x0] =	sbarrier.arrive $0xFFFF  }
0x21: {  	[tilespmem:s15], [sflag:$0x1] =	stream.indirect.gather [hbm4b:s1+s14], $0x40, s4, s14, $0xb8;
	[tilespmem:$0x15220] =	vst v63  }
0x22: {  	_ = 	snop  }
0x23: {  	[tilespmem:s16], [sflag:$0x2] =	stream.indirect.gather [hbm4b:s1+s14], $0x40, s14, s14, $0xb8;
	[tilespmem:$0x15220] =	vst v63  }
0x24: {  	s21 =	simm.s32 $0xA0  }
0x25: {  	[tilespmem:s18], [sflag:$0x3] =	stream.indirect.gather [hbm4b:s1+s14], $0x40, s21, s14, $0xb8;
	[tilespmem:$0x15220] =	vst v63  }
0x26: {  	s13 =	simm.s32 $0xF0  }
0x27: {  	[tilespmem:s20], [sflag:$0x4] =	stream.indirect.gather [hbm4b:s1+s14], $0x40, s13, s14, $0xb8;
	[tilespmem:$0x15220] =	vst v63  }
0x28: {  	s21 =	simm.s32 $0x140  }
0x29: {  	[tilespmem:s22], [sflag:$0x5] =	stream.indirect.gather [hbm4b:s1+s14], $0x40, s21, s14, $0xb8;
	[tilespmem:$0x15220] =	vst v63  }
0x2a: {  	_ =	swait.ge [sflag:s23], $0x1400  }
0x2b: {  	[sflag:s23] =	ssyncset.done $0x0  }
0x2c: {  	s13 =	simm.s32 $0x2710;
	[sflag:s23] =	ssyncadd.s32 $0xFFFFEC00  }
0x2d: {  	[spmem:s3] =	stream.indirect.scatter.add.f32 [tilespmem:s15], [sflag:$0x6], $0x40, s13, s14, $0xb8;
	[tilespmem:$0x15220] =	vst v63  }
0x2e: {  	_ =	swait.ge [sflag:s24], $0x1400  }
0x2f: {  	[sflag:s24] =	ssyncset.done $0x0  }
0x30: {  	s5 =	simm.s32 $0x2760;
	[sflag:s24] =	ssyncadd.s32 $0xFFFFEC00  }
0x31: {  	[spmem:s3] =	stream.indirect.scatter.add.f32 [tilespmem:s16], [sflag:$0x7], $0x40, s5, s14, $0xb8;
	[tilespmem:$0x15220] =	vst v63  }
0x32: {  	_ =	swait.ge [sflag:s25], $0x1400  }
0x33: {  	[sflag:s25] =	ssyncset.done $0x0  }
0x34: {  	s21 =	simm.s32 $0x27B0;
	[sflag:s25] =	ssyncadd.s32 $0xFFFFEC00  }
0x35: {  	[spmem:s3] =	stream.indirect.scatter.add.f32 [tilespmem:s18], [sflag:$0x8], $0x40, s21, s14, $0xb8;
	[tilespmem:$0x15220] =	vst v63  }
0x36: {  	_ =	swait.ge [sflag:s26], $0x1400  }
0x37: {  	[sflag:s26] =	ssyncset.done $0x0  }
0x38: {  	s5 =	simm.s32 $0x2800;
	[sflag:s26] =	ssyncadd.s32 $0xFFFFEC00  }
0x39: {  	[spmem:s3] =	stream.indirect.scatter.add.f32 [tilespmem:s20], [sflag:$0x9], $0x40, s5, s14, $0xb8;
	[tilespmem:$0x15220] =	vst v63  }
0x3a: {  	_ =	swait.ge [sflag:s28], $0x1400  }
0x3b: {  	[sflag:s28] =	ssyncset.done $0x0  }
0x3c: {  	s21 =	simm.s32 $0x2850;
	[sflag:s28] =	ssyncadd.s32 $0xFFFFEC00  }
0x3d: {  	[spmem:s3] =	stream.indirect.scatter.add.f32 [tilespmem:s22], [sflag:$0xA], $0x40, s21, s14, $0xb8;
	[tilespmem:$0x15220] =	vst v63  }
0x3e: {  	_ =	swait.ge [sflag:s29], $0x1400  }
0x3f: {  	[sflag:s29] =	ssyncset.done $0x0  }
0x40: {  	s5 =	simm.s32 $0x190;
	[sflag:s29] =	ssyncadd.s32 $0xFFFFEC00  }
0x41: {  	[tilespmem:s15], [sflag:$0x1] =	stream.indirect.gather [hbm4b:s1+s14], $0x40, s5, s14, $0xb8;
	[tilespmem:$0x15220] =	vst v63  }
0x42: {  	_ =	swait.ge [sflag:s30], $0x1400  }
0x43: {  	[sflag:s30] =	ssyncset.done $0x0  }
0x44: {  	s21 =	simm.s32 $0x1E0;
	[sflag:s30] =	ssyncadd.s32 $0xFFFFEC00  }
0x45: {  	[tilespmem:s16], [sflag:$0x2] =	stream.indirect.gather [hbm4b:s1+s14], $0x40, s21, s14, $0xb8;
	[tilespmem:$0x15220] =	vst v63  }
0x46: {  	_ =	swait.ge [sflag:s31], $0x1400  }
0x47: {  	[sflag:s31] =	ssyncset.done $0x0  }
0x48: {  	s5 =	simm.s32 $0x230;
	[sflag:s31] =	ssyncadd.s32 $0xFFFFEC00  }
0x49: {  	[tilespmem:s18], [sflag:$0x3] =	stream.indirect.gather [hbm4b:s1+s14], $0x40, s5, s14, $0xb8;
	[tilespmem:$0x15220] =	vst v63  }
0x4a: {  	_ =	swait.ge [sflag:s2], $0x1400  }
0x4b: {  	[sflag:s2] =	ssyncset.done $0x0  }
0x4c: {  	s21 =	simm.s32 $0x280;
	[sflag:s2] =	ssyncadd.s32 $0xFFFFEC00  }
0x4d: {  	[tilespmem:s20], [sflag:$0x4] =	stream.indirect.gather [hbm4b:s1+s14], $0x40, s21, s14, $0xb8;
	[tilespmem:$0x15220] =	vst v63  }
0x4e: {  	_ =	swait.ge [sflag:s0], $0x1400  }
0x4f: {  	[sflag:s0] =	ssyncset.done $0x0  }
0x50: {  	s13 =	simm.s32 $0x2D0;
	s21 =	simm.s32 $0x640;
	[sflag:s0] =	ssyncadd.s32 $0xFFFFEC00  }
.LBB2_2:
0x51: {  	[tilespmem:s22], [sflag:$0x5] =	stream.indirect.gather [hbm4b:s1+s14], $0x40, s13, s14, $0xb8;
	[tilespmem:$0x15220] =	vst v63  }
0x52: {  	s13 =	smov.u32 s21;
	s21 =	sadd.s32 $0x640, s21;
	_ =	swait.ge [sflag:s23], $0x1400  }
0x53: {  	s13 =	sshra.s32 s13, $0x2;
	p0 =	sne.s32 s21, $0x8FC0;
	[sflag:s23] =	ssyncset.done $0x0  }
0x54: {  	s5 =	sadd.s32 $0x2710, s13;
	[sflag:s23] =	ssyncadd.s32 $0xFFFFEC00  }
0x55: {  	[spmem:s3] =	stream.indirect.scatter.add.f32 [tilespmem:s15], [sflag:$0x6], $0x40, s5, s14, $0xb8;
	[tilespmem:$0x15220] =	vst v63  }
0x56: {  	_ =	swait.ge [sflag:s24], $0x1400  }
0x57: {  	[sflag:s24] =	ssyncset.done $0x0  }
0x58: {  	s5 =	sadd.s32 $0x2760, s13;
	[sflag:s24] =	ssyncadd.s32 $0xFFFFEC00  }
0x59: {  	[spmem:s3] =	stream.indirect.scatter.add.f32 [tilespmem:s16], [sflag:$0x7], $0x40, s5, s14, $0xb8;
	[tilespmem:$0x15220] =	vst v63  }
0x5a: {  	_ =	swait.ge [sflag:s25], $0x1400  }
0x5b: {  	[sflag:s25] =	ssyncset.done $0x0  }
0x5c: {  	s5 =	sadd.s32 $0x27B0, s13;
	[sflag:s25] =	ssyncadd.s32 $0xFFFFEC00  }
0x5d: {  	[spmem:s3] =	stream.indirect.scatter.add.f32 [tilespmem:s18], [sflag:$0x8], $0x40, s5, s14, $0xb8;
	[tilespmem:$0x15220] =	vst v63  }
0x5e: {  	_ =	swait.ge [sflag:s26], $0x1400  }
0x5f: {  	[sflag:s26] =	ssyncset.done $0x0  }
0x60: {  	s5 =	sadd.s32 $0x2800, s13;
	[sflag:s26] =	ssyncadd.s32 $0xFFFFEC00  }
0x61: {  	[spmem:s3] =	stream.indirect.scatter.add.f32 [tilespmem:s20], [sflag:$0x9], $0x40, s5, s14, $0xb8;
	[tilespmem:$0x15220] =	vst v63  }
0x62: {  	_ =	swait.ge [sflag:s28], $0x1400  }
0x63: {  	[sflag:s28] =	ssyncset.done $0x0  }
0x64: {  	s5 =	sadd.s32 $0x2850, s13;
	[sflag:s28] =	ssyncadd.s32 $0xFFFFEC00  }
0x65: {  	[spmem:s3] =	stream.indirect.scatter.add.f32 [tilespmem:s22], [sflag:$0xA], $0x40, s5, s14, $0xb8;
	[tilespmem:$0x15220] =	vst v63  }
0x66: {  	_ =	swait.ge [sflag:s29], $0x1400  }
0x67: {  	[sflag:s29] =	ssyncset.done $0x0  }
0x68: {  	s5 =	sadd.s32 $0x190, s13;
	[sflag:s29] =	ssyncadd.s32 $0xFFFFEC00  }
0x69: {  	[tilespmem:s15], [sflag:$0x1] =	stream.indirect.gather [hbm4b:s1+s14], $0x40, s5, s14, $0xb8;
	[tilespmem:$0x15220] =	vst v63  }
0x6a: {  	_ =	swait.ge [sflag:s30], $0x1400  }
0x6b: {  	[sflag:s30] =	ssyncset.done $0x0  }
0x6c: {  	s5 =	sadd.s32 $0x1E0, s13;
	[sflag:s30] =	ssyncadd.s32 $0xFFFFEC00  }
0x6d: {  	[tilespmem:s16], [sflag:$0x2] =	stream.indirect.gather [hbm4b:s1+s14], $0x40, s5, s14, $0xb8;
	[tilespmem:$0x15220] =	vst v63  }
0x6e: {  	_ =	swait.ge [sflag:s31], $0x1400  }
0x6f: {  	[sflag:s31] =	ssyncset.done $0x0  }
0x70: {  	s5 =	sadd.s32 $0x230, s13;
	[sflag:s31] =	ssyncadd.s32 $0xFFFFEC00  }
0x71: {  	[tilespmem:s18], [sflag:$0x3] =	stream.indirect.gather [hbm4b:s1+s14], $0x40, s5, s14, $0xb8;
	[tilespmem:$0x15220] =	vst v63  }
0x72: {  	_ =	swait.ge [sflag:s2], $0x1400  }
0x73: {  	[sflag:s2] =	ssyncset.done $0x0  }
.Ltmp0:
0x74: {  	s5 =	sadd.s32 $0x280, s13;
	[sflag:s2] =	ssyncadd.s32 $0xFFFFEC00;
	(pc) =	sbr.rel @p0 .LBB2_2-.Ltmp0, $4  }
0x75: {  	[tilespmem:s20], [sflag:$0x4] =	stream.indirect.gather [hbm4b:s1+s14], $0x40, s5, s14, $0xb8;
	[tilespmem:$0x15220] =	vst v63  }
0x76: {  	_ =	swait.ge [sflag:s0], $0x1400  }
0x77: {  	[sflag:s0] =	ssyncset.done $0x0  }
0x78: {  	s13 =	sadd.s32 $0x2D0, s13;
	[sflag:s0] =	ssyncadd.s32 $0xFFFFEC00  }
0x79: {  	[tilespmem:s22], [sflag:$0x5] =	stream.indirect.gather [hbm4b:s1+s14], $0x40, s13, s14, $0xb8;
	[tilespmem:$0x15220] =	vst v63  }
0x7a: {  	_ =	swait.ge [sflag:s23], $0x1400  }
0x7b: {  	s5 =	sshra.s32 s21, $0x2;
	[sflag:s23] =	ssyncset.done $0x0  }
0x7c: {  	s21 =	sadd.s32 $0x2710, s5;
	[sflag:s23] =	ssyncadd.s32 $0xFFFFEC00  }
0x7d: {  	[spmem:s3] =	stream.indirect.scatter.add.f32 [tilespmem:s15], [sflag:$0x6], $0x40, s21, s14, $0xb8;
	[tilespmem:$0x15220] =	vst v63  }
0x7e: {  	_ =	swait.ge [sflag:s24], $0x1400  }
0x7f: {  	[sflag:s24] =	ssyncset.done $0x0  }
0x80: {  	s21 =	sadd.s32 $0x2760, s5;
	[sflag:s24] =	ssyncadd.s32 $0xFFFFEC00  }
0x81: {  	[spmem:s3] =	stream.indirect.scatter.add.f32 [tilespmem:s16], [sflag:$0x7], $0x40, s21, s14, $0xb8;
	[tilespmem:$0x15220] =	vst v63  }
0x82: {  	_ =	swait.ge [sflag:s25], $0x1400  }
0x83: {  	[sflag:s25] =	ssyncset.done $0x0  }
0x84: {  	s21 =	sadd.s32 $0x27B0, s5;
	[sflag:s25] =	ssyncadd.s32 $0xFFFFEC00  }
0x85: {  	[spmem:s3] =	stream.indirect.scatter.add.f32 [tilespmem:s18], [sflag:$0x8], $0x40, s21, s14, $0xb8;
	[tilespmem:$0x15220] =	vst v63  }
0x86: {  	_ =	swait.ge [sflag:s26], $0x1400  }
0x87: {  	[sflag:s26] =	ssyncset.done $0x0  }
0x88: {  	s21 =	sadd.s32 $0x2800, s5;
	[sflag:s26] =	ssyncadd.s32 $0xFFFFEC00  }
0x89: {  	[spmem:s3] =	stream.indirect.scatter.add.f32 [tilespmem:s20], [sflag:$0x9], $0x40, s21, s14, $0xb8;
	[tilespmem:$0x15220] =	vst v63  }
0x8a: {  	_ =	swait.ge [sflag:s28], $0x1400  }
0x8b: {  	[sflag:s28] =	ssyncset.done $0x0  }
0x8c: {  	s21 =	sadd.s32 $0x2850, s5;
	[sflag:s28] =	ssyncadd.s32 $0xFFFFEC00  }
0x8d: {  	[spmem:s3] =	stream.indirect.scatter.add.f32 [tilespmem:s22], [sflag:$0xA], $0x40, s21, s14, $0xb8;
	[tilespmem:$0x15220] =	vst v63  }
0x8e: {  	_ =	swait.ge [sflag:s29], $0x1400  }
0x8f: {  	[sflag:s29] =	ssyncset.done $0x0  }
0x90: {  	s21 =	sadd.s32 $0x190, s5;
	[sflag:s29] =	ssyncadd.s32 $0xFFFFEC00  }
0x91: {  	[tilespmem:s15], [sflag:$0x1] =	stream.indirect.gather [hbm4b:s1+s14], $0x40, s21, s14, $0xb8;
	[tilespmem:$0x15220] =	vst v63  }
0x92: {  	_ =	swait.ge [sflag:s30], $0x1400  }
0x93: {  	[sflag:s30] =	ssyncset.done $0x0  }
0x94: {  	s21 =	sadd.s32 $0x1E0, s5;
	[sflag:s30] =	ssyncadd.s32 $0xFFFFEC00  }
0x95: {  	[tilespmem:s16], [sflag:$0x2] =	stream.indirect.gather [hbm4b:s1+s14], $0x40, s21, s14, $0xb8;
	[tilespmem:$0x15220] =	vst v63  }
0x96: {  	_ =	swait.ge [sflag:s31], $0x1400  }
0x97: {  	[sflag:s31] =	ssyncset.done $0x0  }
0x98: {  	s21 =	sadd.s32 $0x230, s5;
	[sflag:s31] =	ssyncadd.s32 $0xFFFFEC00  }
0x99: {  	[tilespmem:s18], [sflag:$0x3] =	stream.indirect.gather [hbm4b:s1+s14], $0x40, s21, s14, $0xb8;
	[tilespmem:$0x15220] =	vst v63  }
0x9a: {  	_ =	swait.ge [sflag:s2], $0x1400  }
0x9b: {  	[sflag:s2] =	ssyncset.done $0x0  }
0x9c: {  	s21 =	sadd.s32 $0x280, s5;
	[sflag:s2] =	ssyncadd.s32 $0xFFFFEC00  }
0x9d: {  	[tilespmem:s20], [sflag:$0x4] =	stream.indirect.gather [hbm4b:s1+s14], $0x40, s21, s14, $0xb8;
	[tilespmem:$0x15220] =	vst v63  }
0x9e: {  	_ =	swait.ge [sflag:s0], $0x1400  }
0x9f: {  	[sflag:s0] =	ssyncset.done $0x0  }
0xa0: {  	s5 =	sadd.s32 $0x2D0, s5;
	[sflag:s0] =	ssyncadd.s32 $0xFFFFEC00  }
0xa1: {  	[tilespmem:s22], [sflag:$0x5] =	stream.indirect.gather [hbm4b:s1+s14], $0x40, s5, s14, $0xb8;
	[tilespmem:$0x15220] =	vst v63  }
0xa2: {  	_ =	swait.ge [sflag:s23], $0x1400  }
0xa3: {  	[sflag:s23] =	ssyncset.done $0x0  }
0xa4: {  	s21 =	simm.s32 $0x4C90;
	[sflag:s23] =	ssyncadd.s32 $0xFFFFEC00  }
0xa5: {  	[spmem:s3] =	stream.indirect.scatter.add.f32 [tilespmem:s15], [sflag:$0x6], $0x40, s21, s14, $0xb8;
	[tilespmem:$0x15220] =	vst v63  }
0xa6: {  	_ =	swait.ge [sflag:s24], $0x1400  }
0xa7: {  	[sflag:s24] =	ssyncset.done $0x0  }
0xa8: {  	s13 =	simm.s32 $0x4CE0;
	[sflag:s24] =	ssyncadd.s32 $0xFFFFEC00  }
0xa9: {  	[spmem:s3] =	stream.indirect.scatter.add.f32 [tilespmem:s16], [sflag:$0x7], $0x40, s13, s14, $0xb8;
	[tilespmem:$0x15220] =	vst v63  }
0xaa: {  	_ =	swait.ge [sflag:s25], $0x1400  }
0xab: {  	[sflag:s25] =	ssyncset.done $0x0  }
0xac: {  	s21 =	simm.s32 $0x4D30;
	[sflag:s25] =	ssyncadd.s32 $0xFFFFEC00  }
0xad: {  	[spmem:s3] =	stream.indirect.scatter.add.f32 [tilespmem:s18], [sflag:$0x8], $0x40, s21, s14, $0xb8;
	[tilespmem:$0x15220] =	vst v63  }
0xae: {  	_ =	swait.ge [sflag:s26], $0x1400  }
0xaf: {  	[sflag:s26] =	ssyncset.done $0x0  }
0xb0: {  	s13 =	simm.s32 $0x4D80;
	[sflag:s26] =	ssyncadd.s32 $0xFFFFEC00  }
0xb1: {  	[spmem:s3] =	stream.indirect.scatter.add.f32 [tilespmem:s20], [sflag:$0x9], $0x40, s13, s14, $0xb8;
	[tilespmem:$0x15220] =	vst v63  }
0xb2: {  	_ =	swait.ge [sflag:s28], $0x1400  }
0xb3: {  	[sflag:s28] =	ssyncset.done $0x0  }
0xb4: {  	s21 =	simm.s32 $0x4DD0;
	[sflag:s28] =	ssyncadd.s32 $0xFFFFEC00  }
0xb5: {  	[spmem:s3] =	stream.indirect.scatter.add.f32 [tilespmem:s22], [sflag:$0xA], $0x40, s21, s14, $0xb8;
	[tilespmem:$0x15220] =	vst v63  }
0xb6: {  	_ =	swait.ge [sflag:s29], $0x1400  }
0xb7: {  	[sflag:s29] =	ssyncset.done $0x0  }
0xb8: {  	[sflag:s29] =	ssyncadd.s32 $0xFFFFEC00  }
0xb9: {  	[tilespmem:s15], [sflag:$0x1] =	stream.indirect.gather [hbm4b:s1+s14], $0x40, s17, s14, $0xb8;
	[tilespmem:$0x15220] =	vst v63  }
0xba: {  	_ =	swait.ge [sflag:s30], $0x1400  }
0xbb: {  	[sflag:s30] =	ssyncset.done $0x0  }
0xbc: {  	[sflag:s30] =	ssyncadd.s32 $0xFFFFEC00  }
0xbd: {  	[tilespmem:s16], [sflag:$0x2] =	stream.indirect.gather [hbm4b:s1+s14], $0x40, s17, s14, $0xb8;
	[tilespmem:$0x15220] =	vst v63  }
0xbe: {  	_ =	swait.ge [sflag:s31], $0x1400  }
0xbf: {  	[sflag:s31] =	ssyncset.done $0x0  }
0xc0: {  	[sflag:s31] =	ssyncadd.s32 $0xFFFFEC00  }
0xc1: {  	[tilespmem:s18], [sflag:$0x3] =	stream.indirect.gather [hbm4b:s1+s14], $0x40, s17, s14, $0xb8;
	[tilespmem:$0x15220] =	vst v63  }
0xc2: {  	_ =	swait.ge [sflag:s2], $0x1400  }
0xc3: {  	[sflag:s2] =	ssyncset.done $0x0  }
0xc4: {  	[sflag:s2] =	ssyncadd.s32 $0xFFFFEC00  }
0xc5: {  	[tilespmem:s20], [sflag:$0x4] =	stream.indirect.gather [hbm4b:s1+s14], $0x40, s17, s14, $0xb8;
	[tilespmem:$0x15220] =	vst v63  }
0xc6: {  	_ =	swait.ge [sflag:s0], $0x1400  }
0xc7: {  	[sflag:s0] =	ssyncset.done $0x0  }
0xc8: {  	[sflag:s0] =	ssyncadd.s32 $0xFFFFEC00  }
0xc9: {  	[tilespmem:s22], [sflag:$0x5] =	stream.indirect.gather [hbm4b:s1+s14], $0x40, s17, s14, $0xb8;
	[tilespmem:$0x15220] =	vst v63  }
0xca: {  	_ =	swait.ge [sflag:s23], $0x1400  }
0xcb: {  	[sflag:s23] =	ssyncset.done $0x0  }
0xcc: {  	[sflag:s23] =	ssyncadd.s32 $0xFFFFEC00  }
0xcd: {  	_ =	swait.ge [sflag:s24], $0x1400  }
0xce: {  	[sflag:s24] =	ssyncset.done $0x0  }
0xcf: {  	[sflag:s24] =	ssyncadd.s32 $0xFFFFEC00  }
0xd0: {  	_ =	swait.ge [sflag:s25], $0x1400  }
0xd1: {  	[sflag:s25] =	ssyncset.done $0x0  }
0xd2: {  	[sflag:s25] =	ssyncadd.s32 $0xFFFFEC00  }
0xd3: {  	_ =	swait.ge [sflag:s26], $0x1400  }
0xd4: {  	[sflag:s26] =	ssyncset.done $0x0  }
0xd5: {  	[sflag:s26] =	ssyncadd.s32 $0xFFFFEC00  }
0xd6: {  	_ =	swait.ge [sflag:s28], $0x1400  }
0xd7: {  	s19 =	sadd.s32 $0x1, s19;
	[sflag:s28] =	ssyncset.done $0x0  }
0xd8: {  	p0 =	sne.s32 s19, s10;
	[sflag:s28] =	ssyncadd.s32 $0xFFFFEC00  }
.Ltmp1:
0xd9: {  	[bflag:$0x0] =	sbarrier.arrive $0xFFFF;
	(pc) =	sbr.rel @p0 .LBB2_1-.Ltmp1, $4  }
0xda: {  	[hbm:s9], [sflag:s6] =	dma.local [spmem:s11], $0x1400  }
0xdb: {  	_ =	swait.ge [sflag:s12], $0x1400  }
0xdc: {  	[sflag:s12] =	ssyncset.done $0x0  }
0xdd: {  	[sflag:s12] =	ssyncadd.s32 $0xFFFFEC00  }
0xde: {  	_ =	sfence.sel $0x180000  }
0xdf: {  	[bflag:$0x0] =	sbarrier.arrive $0xFFFF  }
0xe0: {  	_ =	strace $0x9000004A  }
0xe1: {  	s0 =	stileid.u32;
	[bflag:$0x2] =	sbarrier.arrive $0xFFFF  }
0xe2: {  	p0 =	sne.s32 s0, $0x0;
	s0 =	rddreg [dreg:$0x3]  }
0xe3: {  	s0 =	sadd.s32 @!p0 $0x100000, s0  }
0xe4: {  	[sflag:s0] =	ssyncadd.tile.s32 @!p0 $0x1;
	_ =	shalt  }
.Lfunc_end2:
_tile_overlayer_lowered:
.L_overlay_start_2:
0xe5: {  	(tag) =	ssettag $0x2  }
0xe6: {  	s0 =	rddreg [dreg:$0x0];
	s2 =	stileid.u32  }
0xe7: {  	s1 =	rddreg [dreg:$0x1];
	p0 =	sne.s32 s2, $0x0  }
0xe8: {  	s3 =	rddreg [dreg:$0x2];
	[bflag:$0x3] =	sbarrier.arrive $0xFFFF;
	s2 =	simm.s32 @!p0 $0x1C0B  }
0xe9: {  	[timem:s3], [sflag:s2] =	dma.local @!p0 [hbm:s0], s1  }
0xea: {  	s0 =	simm.s32 @!p0 $0xB  }
0xeb: {  	_ =	swait.ge @!p0 [sflag:s0], s1  }
0xec: {  	s1 =	ssub.s32 @!p0 $0x0, s1;
	[sflag:s0] =	ssyncset.done @!p0 $0x0  }
0xed: {  	[sflag:s0] =	ssyncadd.s32 @!p0 s1  }
0xee: {  	[bflag:$0x3] =	sbarrier.arrive $0xFFFF  }
0xef: {  	_ =	shalt  }

// kernel: kernel.7.cloned.1.call-start
scs
__scs_entry_jumppad:
0x0: {  	(pc) =	sbr.rel $0x88, $3  }
0x1: {  	(tag) =	ssettag $0x0;
	lr =	simm.s32 $0x1  }
0x2: {  	[smem:$0x3F99] =	sst lr;
	_ =	strace $0xD0000000  }
0x3: {  	_ = 	snop  }
0x4: {  	_ = 	snop  }
0x5: {  	_ = 	snop  }
0x6: {  	_ = 	snop  }
0x7: {  	_ = 	snop  }
__scs_overlays_trampoline_lowered:
0x8: {  	[smem:$0x3FA8] =	sst s0  }
0x9: {  	[smem:$0x3FA9] =	sst s1  }
0xa: {  	[smem:$0x3FAA] =	sst s2  }
0xb: {  	[smem:$0x3FAB] =	sst s3  }
0xc: {  	[smem:$0x3FAC] =	sst s4  }
0xd: {  	[smem:$0x3FAD] =	sst s5  }
0xe: {  	[smem:$0x3FAE] =	sst s6  }
0xf: {  	[smem:$0x3FAF] =	sst s7  }
0x10: {  	[smem:$0x3FB0] =	sst s8  }
0x11: {  	[smem:$0x3FB1] =	sst s9;
	s0 =	simm.s32 @!p0 $0x0  }
0x12: {  	s1 =	sld [smem:$0x3F97];
	s0 =	simm.s32 @p0 $0x1  }
0x13: {  	[smem:$0x3FB2] =	sst s0;
	s0 =	simm.s32 @!p1 $0x0  }
0x14: {  	s2 =	sld [smem:$0x3F96];
	s0 =	simm.s32 @p1 $0x1  }
0x15: {  	[smem:$0x3FB3] =	sst s0;
	s0 =	simm.s32 @!p2 $0x0  }
0x16: {  	s3 =	sld [smem:$0x3FDB];
	s0 =	simm.s32 @p2 $0x1  }
0x17: {  	s4 =	simm.s32 $0x1BF5;
	[smem:$0x3FB5] =	sst s0  }
0x18: {  	s0 =	sld [smem:$0x3F98];
	_ =	swait.ge [sflag:s4], $0x0  }
0x19: {  	s7 =	sld [smem:$0x3F99]  }
0x1a: {  	s8 =	sadd.s32 $0xFFFFE003, lr  }
0x1b: {  	s9 =	sadd.s32 $0xFFFFFEF7, lr;
	s5 =	simm.s32 $0xFFFFFFFF;
	p2 =	slt.u32 s8, $0xFFFFF086  }
0x1c: {  	p1 =	slt.u32 s9, $0xF7A;
	s5 =	simm.s32 @!p2 $0x0  }
0x1d: {  	s5 =	simm.s32 @p1 $0x1;
	p0 =	seq.s32 s7, s2  }
0x1e: {  	s7 =	smul.u32 @!p0 $0xF7A, s2;
	p2 =	seq.s32 @!p0 s5, $0x0  }
0x1f: {  	s9 =	smul.u32 $0xF7A, s1;
	s8 =	simm.s32 @!p0 $0x1BF5;
	p2 =	por !p2, p0  }
0x20: {  	[sflag:s8] =	ssyncset.s32 @!p0 $0xFFFFF086;
	s6 =	sadd.s32 @!p0 s3, s7;
	s7 =	simm.s32 @!p0 $0x108  }
0x21: {  	s3 =	sadd.s32 s3, s9;
	s6 =	sadd.s32 @!p0 $0x88, s6;
	s7 =	simm.s32 @p2 $0x1082  }
0x22: {  	[simem:s7], [sflag:s8] =	dma.local @!p0 [hbm:s6], $0xF7A  }
0x23: {  	s9 =	sor.u32 $0xD0000000, s2;
	s6 =	simm.s32 $0x108;
	_ =	swait.ge @!p0 [sflag:s8], $0x0  }
0x24: {  	s3 =	sadd.s32 $0x88, s3;
	s6 =	simm.s32 @!p1 $0x1082;
	[sflag:s4] =	ssyncset.s32 $0xFFFFF086  }
0x25: {  	[simem:s6], [sflag:s4] =	dma.local [hbm:s3], $0xF7A  }
0x26: {  	[smem:$0x3F99] =	sst s1;
	(tag) =	ssettag s2;
	_ =	strace s9  }
0x27: {  	s1 =	sld [smem:$0x3FA9]  }
0x28: {  	s2 =	sld [smem:$0x3FAA]  }
0x29: {  	s4 =	sld [smem:$0x3FAC]  }
0x2a: {  	p0 =	seq.s32 s5, $0x0;
	s5 =	sld [smem:$0x3FAD]  }
0x2b: {  	s6 =	sld [smem:$0x3FAE]  }
0x2c: {  	s7 =	sld [smem:$0x3FAF]  }
0x2d: {  	s3 =	simm.s32 $0x108;
	s8 =	sld [smem:$0x3FB0]  }
0x2e: {  	s3 =	simm.s32 @!p0 $0x1082;
	s9 =	sld [smem:$0x3FB1]  }
0x2f: {  	lr =	sadd.s32 s0, s3;
	s0 =	sld [smem:$0x3FA8]  }
0x30: {  	s3 =	sld [smem:$0x3FAB]  }
0x31: {  	[smem:$0x3FB4] =	sst s10  }
0x32: {  	s10 =	sld [smem:$0x3FB2];
	_ =	sdelay $0x3  }
0x33: {  	p0 =	seq.s32 s10, $0x1;
	s10 =	sld [smem:$0x3FB4];
	_ =	sdelay $0x3  }
0x34: {  	[smem:$0x3FB4] =	sst s10  }
0x35: {  	s10 =	sld [smem:$0x3FB3];
	_ =	sdelay $0x3  }
0x36: {  	p1 =	seq.s32 s10, $0x1;
	s10 =	sld [smem:$0x3FB4];
	_ =	sdelay $0x3  }
0x37: {  	[smem:$0x3FB4] =	sst s10  }
0x38: {  	s10 =	sld [smem:$0x3FB5]  }
0x39: {  	_ = 	snop;
	(pc) =	sbr.ind lr, $3  }
0x3a: {  	_ = 	snop  }
0x3b: {  	_ = 	snop  }
0x3c: {  	p2 =	seq.s32 s10, $0x1;
	s10 =	sld [smem:$0x3FB4]  }
0x3d: {  	_ =	shalt  }
0x3e: {  	_ =	shalt  }
0x3f: {  	_ =	shalt  }
0x40: {  	_ =	shalt  }
0x41: {  	_ =	shalt  }
0x42: {  	_ =	shalt  }
0x43: {  	_ =	shalt  }
0x44: {  	_ =	shalt  }
0x45: {  	_ =	shalt  }
0x46: {  	_ =	shalt  }
0x47: {  	_ =	shalt  }
0x48: {  	_ =	shalt  }
0x49: {  	_ =	shalt  }
0x4a: {  	_ =	shalt  }
0x4b: {  	_ =	shalt  }
0x4c: {  	_ =	shalt  }
0x4d: {  	_ =	shalt  }
0x4e: {  	_ =	shalt  }
0x4f: {  	_ =	shalt  }
0x50: {  	_ =	shalt  }
0x51: {  	_ =	shalt  }
0x52: {  	_ =	shalt  }
0x53: {  	_ =	shalt  }
0x54: {  	_ =	shalt  }
0x55: {  	_ =	shalt  }
0x56: {  	_ =	shalt  }
0x57: {  	_ =	shalt  }
0x58: {  	_ =	shalt  }
0x59: {  	_ =	shalt  }
0x5a: {  	_ =	shalt  }
0x5b: {  	_ =	shalt  }
0x5c: {  	_ =	shalt  }
0x5d: {  	_ =	shalt  }
0x5e: {  	_ =	shalt  }
0x5f: {  	_ =	shalt  }
0x60: {  	_ =	shalt  }
0x61: {  	_ =	shalt  }
0x62: {  	_ =	shalt  }
0x63: {  	_ =	shalt  }
0x64: {  	_ =	shalt  }
0x65: {  	_ =	shalt  }
0x66: {  	_ =	shalt  }
0x67: {  	_ =	shalt  }
0x68: {  	_ =	shalt  }
0x69: {  	_ =	shalt  }
0x6a: {  	_ =	shalt  }
0x6b: {  	_ =	shalt  }
0x6c: {  	_ =	shalt  }
0x6d: {  	_ =	shalt  }
0x6e: {  	_ =	shalt  }
0x6f: {  	_ =	shalt  }
0x70: {  	_ =	shalt  }
0x71: {  	_ =	shalt  }
0x72: {  	_ =	shalt  }
0x73: {  	_ =	shalt  }
0x74: {  	_ =	shalt  }
0x75: {  	_ =	shalt  }
0x76: {  	_ =	shalt  }
0x77: {  	_ =	shalt  }
0x78: {  	_ =	shalt  }
0x79: {  	_ =	shalt  }
0x7a: {  	_ =	shalt  }
0x7b: {  	_ =	shalt  }
0x7c: {  	_ =	shalt  }
0x7d: {  	_ =	shalt  }
0x7e: {  	_ =	shalt  }
0x7f: {  	_ =	shalt  }
0x80: {  	_ =	shalt  }
0x81: {  	_ =	shalt  }
0x82: {  	_ =	shalt  }
0x83: {  	_ =	shalt  }
0x84: {  	_ =	shalt  }
0x85: {  	_ =	shalt  }
0x86: {  	_ =	shalt  }
0x87: {  	_ =	shalt  }
.Lfunc_end0:
.L_simem_size_0:
called_computation_lowered:
.L_overlay_start_0:
0x88: {  	s2 =	sld [smem:$0x3FD9]  }
0x89: {  	s3 =	sld [smem:$0x3FFE];
	_ =	sdelay $0x1  }
0x8a: {  	s1 =	srdreg.scid  }
0x8b: {  	s0 =	sand.u32 $0x1, s1  }
0x8c: {  	s17 =	sshll.u32 s0, $0xA;
	s2 =	sadd.s32 s3, s2  }
0x8d: {  	s2 =	sadd.s32 s2, s17  }
0x8e: {  	[smem:$0x3FC0] =	sst s2  }
0x8f: {  	_ = 	snop  }
0x90: {  	s2 =	sld [smem:$0x3FD0];
	(tm) =	ssettm $0x1  }
0x91: {  	s18 =	sld [smem:$0x3FFB];
	_ =	sdelay $0x3  }
0x92: {  	_ =	strace s18  }
0x93: {  	s3 =	sld [smem:$0x3FFC];
	_ =	sdelay $0x3  }
0x94: {  	_ =	strace s3  }
0x95: {  	s3 =	sld [smem:$0x3FFD];
	_ =	sdelay $0x3  }
0x96: {  	_ =	strace s3  }
0x97: {  	_ =	strace $0x8FFFFFFF  }
0x98: {  	s19 =	sld [smem:$0x3FDB];
	_ =	sdelay $0x1  }
0x99: {  	s4 =	simm.s32 $_scs_section_size  }
0x9a: {  	s5 =	simm.s32 $_size__tile_overlayer_lowered;
	s6 =	simm.s32 $_tile_overlayer_lowered  }
0x9b: {  	s22 =	simm.s32 $0x1BFF;
	s21 =	sshll.u32 s6, $0x1;
	s3 =	sadd.s32 s4, s19  }
0x9c: {  	s7 =	simm.s32 $0x0;
	s20 =	sshll.u32 s5, $0x1;
	s5 =	sadd.s32 s21, s3  }
0x9d: {  	[timem:s7], [sflag:s22] =	dma.local [hbm:s5], s20  }
0x9e: {  	_ =	swait.ge [sflag:s22], s20  }
0x9f: {  	s4 =	ssub.s32 $0x0, s20;
	[sflag:s22] =	ssyncset.done $0x0  }
0xa0: {  	[sflag:s22] =	ssyncadd.s32 s4;
	_ =	sdelay $0x1  }
0xa1: {  	s23 =	simm.s32 $0x1B8B  }
0xa2: {  	_ =	swait.ge [sflag:s23], $0x1  }
0xa3: {  	[sflag:s23] =	ssyncset.done $0x0  }
0xa4: {  	s25 =	simm.s32 $0x1B8E;
	s24 =	sld [smem:$0x3FFE];
	[sflag:s23] =	ssyncadd.s32 $0xFFFFFFFF  }
0xa5: {  	s26 =	simm.s32 $execute0_lowered;
	[smem:$0x3FD2] =	sst s25  }
0xa6: {  	s5 =	sshll.u32 s26, $0x1;
	_ =	strace $0x80000046;
	[dreg:$0x1] =	wrdreg $0xFFFFFFFF  }
0xa7: {  	s28 =	simm.s32 $_size_execute0_lowered;
	s3 =	sadd.s32 s3, s5;
	[dreg:$0x0] =	wrdreg $0x0  }
0xa8: {  	s5 =	sshll.u32 s28, $0x1;
	[dreg:$0x2] =	wrdreg s3  }
0xa9: {  	[dreg:$0x3] =	wrdreg s5  }
0xaa: {  	[dreg:$0x4] =	wrdreg $0xC0  }
0xab: {  	_ =	task [dreg:s7], $0x5FFFF  }
0xac: {  	[dreg:$0x1] =	wrdreg $0xFFFFFFFF  }
0xad: {  	[dreg:$0x0] =	wrdreg $0x60  }
0xae: {  	[dreg:$0x2] =	wrdreg s2  }
0xaf: {  	[dreg:$0x3] =	wrdreg s24  }
0xb0: {  	[dreg:$0x4] =	wrdreg $0x53200  }
0xb1: {  	[dreg:$0x5] =	wrdreg $0xF3200  }
0xb2: {  	[dreg:$0x6] =	wrdreg $0x9  }
0xb3: {  	_ =	task.clear_ibuf [dreg:s7], $0x7FFFF;
	_ =	strace $0x90000046  }
0xb4: {  	s29 =	simm.s32 $0x9;
	_ =	strace $0x80000048  }
0xb5: {  	_ =	swait.ge [sflag:s29], $0x1  }
0xb6: {  	[sflag:s29] =	ssyncadd.s32 $0xFFFFFFFF  }
0xb7: {  	_ =	strace $0x90000048  }
0xb8: {  	_ =	sfence  }
0xb9: {  	s30 =	sld [smem:$0x0];
	_ =	sdelay $0x2  }
0xba: {  	s31 =	sshll.u32 s1, $0xD;
	s1 =	sshrl.u32 s1, $0x2  }
0xbb: {  	s3 =	sand.u32 $0x4000, s31;
	s1 =	sadd.s32 s1, s30  }
0xbc: {  	s0 =	sor.u32 s3, s0;
	s1 =	sshll.u32 s1, $0x11  }
0xbd: {  	s0 =	sor.u32 s1, s0  }
0xbe: {  	s0 =	sadd.s32 $0x8F2B, s0  }
0xbf: {  	[sflag:s0] =	ssyncadd.remote.s32 $0x1  }
0xc0: {  	_ =	sfence.sel $0xFFFF  }
0xc1: {  	[dreg:$0x0] =	wrdreg $0xFFFFFFFF;
	(pc) =	sbr.abs _section_cstart, $3  }
0xc2: {  	[dreg:$0x1] =	wrdreg $0xFFFFFFFF  }
0xc3: {  	_ =	task.clear_ibuf [dreg:s7], $0x2FFFF;
	_ =	strace $0x9FFFFFFF  }
0xc4: {  	(tm) =	ssettm $0x7FFFFFFF  }
0xc5: {  	_ =	shalt  }
tec
execute0_lowered:
.L_overlay_start_1:
0x0: {  	(tag) =	ssettag $0x1  }
0x1: {  	s0 =	srdreg.scid;
	s1 =	rddreg [dreg:$0x0]  }
0x2: {  	s2 =	rddreg [dreg:$0x1];
	s13 =	stileid.u32  }
0x3: {  	s3 =	rddreg [dreg:$0x2];
	s7 =	simm.s32 $0x0;
	s16 =	simm.s32 $0x10  }
0x4: {  	s29 =	simm.s32 $0x16B20;
	s30 =	simm.s32 $0x1;
	s31 =	simm.s32 $0x2  }
0x5: {  	s17 =	simm.s32 $0x5;
	s28 =	simm.s32 $0x7;
	s6 =	smul.u32 $0xA000, s13  }
0x6: {  	s0 =	sand.u32 $0x1, s0;
	[smem:$0x7FF] =	sst s7;
	s19 =	smul.u32 $0x2800, s13  }
0x7: {  	s12 =	sadd.s32 $0x15000, s2;
	s22 =	sshll.u32 s13, $0x6;
	s8 =	smul.u32 $0xA0000, s0  }
0x8: {  	s7 =	simm.s32 $0x8;
	s4 =	sshll.u32 s0, $0x4;
	s11 =	smul.u32 $0x28000, s0  }
0x9: {  	s0 =	ssub.s32 $0x2, s0;
	s5 =	sor.u32 s13, s4;
	s4 =	rddreg [dreg:$0x3]  }
0xa: {  	_ =	strace $0x80000047;
	s9 =	sshrl.u32 s6, $0x3;
	s10 =	sshrl.u32 s19, $0x3  }
0xb: {  	[dreg:$0x5] =	wrdreg s12;
	s21 =	sshrl.u32 s0, $0x1;
	s12 =	simm.s32 $0xA  }
0xc: {  	s13 =	simm.s32 $0xF;
	s5 =	smul.u32 $0x4E2, s5;
	s9 =	sadd.s32 s9, s2  }
0xd: {  	s10 =	sadd.s32 s10, s2;
	s8 =	sadd.s32 s6, s8;
	s11 =	sadd.s32 s19, s11  }
0xe: {  	s0 =	ssub.s32 s0, s21;
	s6 =	sadd.s32 s6, s3;
	s24 =	sadd.s32 s19, s4  }
0xf: {  	s19 =	simm.s32 $0x4E20;
	s21 =	simm.s32 $0x11B20;
	s8 =	sshrl.u32 s8, $0x3  }
0x10: {  	s11 =	sshrl.u32 s11, $0x3;
	s9 =	sadd.s32 $0x1A200, s9;
	s25 =	sadd.s32 $0x15200, s10  }
0x11: {  	s0 =	smax.u32 s0, $0x1;
	s15 =	sshrl.u32 s6, $0x3;
	s18 =	sshrl.u32 s24, $0x3  }
0x12: {  	s24 =	simm.s32 $0x14320;
	s6 =	simm.s32 $0xC;
	[dreg:$0x6] =	wrdreg s9  }
0x13: {  	s10 =	simm.s32 $0x9;
	s5 =	sadd.s32 s5, s2;
	[dreg:$0x9] =	wrdreg s25  }
0x14: {  	s20 =	sadd.s32 s8, s2;
	s2 =	sadd.s32 s11, s2;
	[dreg:$0xc] =	wrdreg s0  }
0x15: {  	s8 =	sor.u32 $0x1C10, s22;
	s22 =	simm.s32 $0x12F20;
	[dreg:$0xd] =	wrdreg s15  }
0x16: {  	s0 =	simm.s32 $0x4;
	[dreg:$0xe] =	wrdreg s18;
	s23 =	sadd.s32 $0xB200, s5  }
0x17: {  	s25 =	simm.s32 $0xB;
	s5 =	sadd.s32 $0x1400, s5;
	[dreg:$0x7] =	wrdreg s23  }
0x18: {  	s9 =	simm.s32 $0xD;
	s26 =	sadd.s32 $0x2E200, s20;
	[dreg:$0x8] =	wrdreg s5  }
0x19: {  	s11 =	simm.s32 $0xE;
	s2 =	sadd.s32 $0x56200, s2;
	[dreg:$0xa] =	wrdreg s26  }
0x1a: {  	s20 =	simm.s32 $0x50;
	[dreg:$0xb] =	wrdreg s2;
	s26 =	simm.s32 $0x15720  }
0x1b: {  	s2 =	simm.s32 $0x3;
	s23 =	simm.s32 $0x6;
	s5 =	simm.s32 $0x0  }
.LBB2_1:
0x1c: {  	[dreg:$0xf] =	wrdreg s5  }
0x1d: {  	s14 =	rddreg [dreg:$0x6]  }
0x1e: {  	[spmem:s15], [sflag:s8] =	dma.local [hbm:s14], $0x1400  }
0x1f: {  	_ =	swait.ge [sflag:s16], $0x1400  }
0x20: {  	[sflag:s16] =	ssyncset.done $0x0  }
0x21: {  	s14 =	simm.s32 $0x0;
	s5 =	rddreg [dreg:$0x7];
	[sflag:s16] =	ssyncadd.s32 $0xFFFFEC00  }
0x22: {  	[tilespmem:s14], [sflag:$0x10] =	stream.linear.gather [hbm4b:s5+s14], $0x2710, $0x38;
	[tilespmem:$0x17F20] =	vst v63  }
0x23: {  	_ =	swait.ge [sflag:s16], $0x2710  }
0x24: {  	s5 =	smov.u32 s8;
	s8 =	smov.u32 s18;
	[sflag:s16] =	ssyncset.done $0x0  }
0x25: {  	s18 =	simm.s32 $0x2710;
	s15 =	rddreg [dreg:$0x8];
	[sflag:s16] =	ssyncadd.s32 $0xFFFFD8F0  }
0x26: {  	[tilespmem:s18], [sflag:$0x10] =	stream.linear.gather [hbm4b:s15+s14], $0x2710, $0x38;
	[tilespmem:$0x17F20] =	vst v63  }
0x27: {  	_ =	swait.ge [sflag:s16], $0x2710  }
0x28: {  	[sflag:s16] =	ssyncset.done $0x0  }
0x29: {  	s18 =	rddreg [dreg:$0x9];
	[sflag:s16] =	ssyncadd.s32 $0xFFFFD8F0  }
0x2a: {  	[spmem:s8], [sflag:s5] =	dma.local [hbm:s18], $0x500  }
0x2b: {  	_ =	swait.ge [sflag:s16], $0x500  }
0x2c: {  	[sflag:s16] =	ssyncset.done $0x0  }
0x2d: {  	s8 =	smov.u32 s5;
	s5 =	rddreg [dreg:$0x5];
	[sflag:s16] =	ssyncadd.s32 $0xFFFFFB00  }
0x2e: {  	[tilespmem:s19], [sflag:$0x10] =	stream.linear.gather [hbm4b:s5+s14], $0x500, $0x38;
	[tilespmem:$0x17F20] =	vst v63  }
0x2f: {  	_ =	swait.ge [sflag:s16], $0x500  }
0x30: {  	[sflag:s16] =	ssyncset.done $0x0  }
0x31: {  	[sflag:s16] =	ssyncadd.s32 $0xFFFFFB00  }
0x32: {  	[bflag:$0x0] =	sbarrier.arrive $0xFFFF  }
0x33: {  	[tilespmem:s21], [sflag:$0x1] =	stream.indirect.gather [hbm4b:s1+s20], $0x40, s14, s20, $0xb8;
	[tilespmem:$0x17F20] =	vst v63  }
0x34: {  	_ = 	snop  }
0x35: {  	[tilespmem:s22], [sflag:$0x2] =	stream.indirect.gather [hbm4b:s1+s20], $0x40, s20, s20, $0xb8;
	[tilespmem:$0x17F20] =	vst v63  }
0x36: {  	s14 =	simm.s32 $0xA0  }
0x37: {  	[tilespmem:s24], [sflag:$0x3] =	stream.indirect.gather [hbm4b:s1+s20], $0x40, s14, s20, $0xb8;
	[tilespmem:$0x17F20] =	vst v63  }
0x38: {  	s15 =	simm.s32 $0xF0  }
0x39: {  	[tilespmem:s26], [sflag:$0x4] =	stream.indirect.gather [hbm4b:s1+s20], $0x40, s15, s20, $0xb8;
	[tilespmem:$0x17F20] =	vst v63  }
0x3a: {  	s18 =	simm.s32 $0x140  }
0x3b: {  	[tilespmem:s29], [sflag:$0x5] =	stream.indirect.gather [hbm4b:s1+s20], $0x40, s18, s20, $0xb8;
	[tilespmem:$0x17F20] =	vst v63  }
0x3c: {  	_ =	swait.ge [sflag:s30], $0x1400  }
0x3d: {  	[sflag:s30] =	ssyncset.done $0x0  }
0x3e: {  	s5 =	simm.s32 $0x2710;
	[sflag:s30] =	ssyncadd.s32 $0xFFFFEC00  }
0x3f: {  	[spmem:s3] =	stream.indirect.scatter.add.f32 [tilespmem:s21], [sflag:$0x6], $0x40, s5, s20, $0xb8;
	[tilespmem:$0x17F20] =	vst v63  }
0x40: {  	_ = 	snop  }
0x41: {  	[spmem:s4] =	stream.indirect.scatter.add.f32 [tilespmem:s19], [sflag:$0xB], $0x10, s5, s20, $0xb8;
	[tilespmem:$0x17F20] =	vst v63  }
0x42: {  	_ =	swait.ge [sflag:s31], $0x1400  }
0x43: {  	[sflag:s31] =	ssyncset.done $0x0  }
0x44: {  	s14 =	simm.s32 $0x2760;
	[sflag:s31] =	ssyncadd.s32 $0xFFFFEC00  }
0x45: {  	[spmem:s3] =	stream.indirect.scatter.add.f32 [tilespmem:s22], [sflag:$0x7], $0x40, s14, s20, $0xb8;
	[tilespmem:$0x17F20] =	vst v63  }
0x46: {  	_ = 	snop  }
0x47: {  	[spmem:s4] =	stream.indirect.scatter.add.f32 [tilespmem:s19], [sflag:$0xC], $0x10, s14, s20, $0xb8;
	[tilespmem:$0x17F20] =	vst v63  }
0x48: {  	_ =	swait.ge [sflag:s2], $0x1400  }
0x49: {  	[sflag:s2] =	ssyncset.done $0x0  }
0x4a: {  	s18 =	simm.s32 $0x27B0;
	[sflag:s2] =	ssyncadd.s32 $0xFFFFEC00  }
0x4b: {  	[spmem:s3] =	stream.indirect.scatter.add.f32 [tilespmem:s24], [sflag:$0x8], $0x40, s18, s20, $0xb8;
	[tilespmem:$0x17F20] =	vst v63  }
0x4c: {  	_ = 	snop  }
0x4d: {  	[spmem:s4] =	stream.indirect.scatter.add.f32 [tilespmem:s19], [sflag:$0xD], $0x10, s18, s20, $0xb8;
	[tilespmem:$0x17F20] =	vst v63  }
0x4e: {  	_ =	swait.ge [sflag:s0], $0x1400  }
0x4f: {  	[sflag:s0] =	ssyncset.done $0x0  }
0x50: {  	s5 =	simm.s32 $0x2800;
	[sflag:s0] =	ssyncadd.s32 $0xFFFFEC00  }
0x51: {  	[spmem:s3] =	stream.indirect.scatter.add.f32 [tilespmem:s26], [sflag:$0x9], $0x40, s5, s20, $0xb8;
	[tilespmem:$0x17F20] =	vst v63  }
0x52: {  	_ = 	snop  }
0x53: {  	[spmem:s4] =	stream.indirect.scatter.add.f32 [tilespmem:s19], [sflag:$0xE], $0x10, s5, s20, $0xb8;
	[tilespmem:$0x17F20] =	vst v63  }
0x54: {  	_ =	swait.ge [sflag:s17], $0x1400  }
0x55: {  	[sflag:s17] =	ssyncset.done $0x0  }
0x56: {  	s14 =	simm.s32 $0x2850;
	[sflag:s17] =	ssyncadd.s32 $0xFFFFEC00  }
0x57: {  	[spmem:s3] =	stream.indirect.scatter.add.f32 [tilespmem:s29], [sflag:$0xA], $0x40, s14, s20, $0xb8;
	[tilespmem:$0x17F20] =	vst v63  }
0x58: {  	_ = 	snop  }
0x59: {  	[spmem:s4] =	stream.indirect.scatter.add.f32 [tilespmem:s19], [sflag:$0xF], $0x10, s14, s20, $0xb8;
	[tilespmem:$0x17F20] =	vst v63  }
0x5a: {  	_ =	swait.ge [sflag:s23], $0x1400  }
0x5b: {  	[sflag:s23] =	ssyncset.done $0x0  }
0x5c: {  	[sflag:s23] =	ssyncadd.s32 $0xFFFFEC00  }
0x5d: {  	_ =	swait.ge [sflag:s25], $0x500  }
0x5e: {  	[sflag:s25] =	ssyncset.done $0x0  }
0x5f: {  	s18 =	simm.s32 $0x190;
	[sflag:s25] =	ssyncadd.s32 $0xFFFFFB00  }
0x60: {  	[tilespmem:s21], [sflag:$0x1] =	stream.indirect.gather [hbm4b:s1+s20], $0x40, s18, s20, $0xb8;
	[tilespmem:$0x17F20] =	vst v63  }
0x61: {  	_ =	swait.ge [sflag:s28], $0x1400  }
0x62: {  	[sflag:s28] =	ssyncset.done $0x0  }
0x63: {  	[sflag:s28] =	ssyncadd.s32 $0xFFFFEC00  }
0x64: {  	_ =	swait.ge [sflag:s6], $0x500  }
0x65: {  	[sflag:s6] =	ssyncset.done $0x0  }
0x66: {  	s5 =	simm.s32 $0x1E0;
	[sflag:s6] =	ssyncadd.s32 $0xFFFFFB00  }
0x67: {  	[tilespmem:s22], [sflag:$0x2] =	stream.indirect.gather [hbm4b:s1+s20], $0x40, s5, s20, $0xb8;
	[tilespmem:$0x17F20] =	vst v63  }
0x68: {  	_ =	swait.ge [sflag:s7], $0x1400  }
0x69: {  	[sflag:s7] =	ssyncset.done $0x0  }
0x6a: {  	[sflag:s7] =	ssyncadd.s32 $0xFFFFEC00  }
0x6b: {  	_ =	swait.ge [sflag:s9], $0x500  }
0x6c: {  	[sflag:s9] =	ssyncset.done $0x0  }
0x6d: {  	s14 =	simm.s32 $0x230;
	[sflag:s9] =	ssyncadd.s32 $0xFFFFFB00  }
0x6e: {  	[tilespmem:s24], [sflag:$0x3] =	stream.indirect.gather [hbm4b:s1+s20], $0x40, s14, s20, $0xb8;
	[tilespmem:$0x17F20] =	vst v63  }
0x6f: {  	_ =	swait.ge [sflag:s10], $0x1400  }
0x70: {  	[sflag:s10] =	ssyncset.done $0x0  }
0x71: {  	[sflag:s10] =	ssyncadd.s32 $0xFFFFEC00  }
0x72: {  	_ =	swait.ge [sflag:s11], $0x500  }
0x73: {  	[sflag:s11] =	ssyncset.done $0x0  }
0x74: {  	s18 =	simm.s32 $0x280;
	[sflag:s11] =	ssyncadd.s32 $0xFFFFFB00  }
0x75: {  	[tilespmem:s26], [sflag:$0x4] =	stream.indirect.gather [hbm4b:s1+s20], $0x40, s18, s20, $0xb8;
	[tilespmem:$0x17F20] =	vst v63  }
0x76: {  	_ =	swait.ge [sflag:s12], $0x1400  }
0x77: {  	[sflag:s12] =	ssyncset.done $0x0  }
0x78: {  	[sflag:s12] =	ssyncadd.s32 $0xFFFFEC00  }
0x79: {  	_ =	swait.ge [sflag:s13], $0x500  }
0x7a: {  	[sflag:s13] =	ssyncset.done $0x0  }
0x7b: {  	s15 =	simm.s32 $0x640;
	s18 =	simm.s32 $0x2D0;
	[sflag:s13] =	ssyncadd.s32 $0xFFFFFB00  }
.LBB2_2:
0x7c: {  	[tilespmem:s29], [sflag:$0x5] =	stream.indirect.gather [hbm4b:s1+s20], $0x40, s18, s20, $0xb8;
	[tilespmem:$0x17F20] =	vst v63  }
0x7d: {  	s18 =	smov.u32 s15;
	s15 =	sadd.s32 $0x640, s15;
	_ =	swait.ge [sflag:s30], $0x1400  }
0x7e: {  	s18 =	sshra.s32 s18, $0x2;
	p0 =	sne.s32 s15, $0x8FC0;
	[sflag:s30] =	ssyncset.done $0x0  }
0x7f: {  	s14 =	sadd.s32 $0x2710, s18;
	[sflag:s30] =	ssyncadd.s32 $0xFFFFEC00  }
0x80: {  	[spmem:s3] =	stream.indirect.scatter.add.f32 [tilespmem:s21], [sflag:$0x6], $0x40, s14, s20, $0xb8;
	[tilespmem:$0x17F20] =	vst v63  }
0x81: {  	_ = 	snop  }
0x82: {  	[spmem:s4] =	stream.indirect.scatter.add.f32 [tilespmem:s19], [sflag:$0xB], $0x10, s14, s20, $0xb8;
	[tilespmem:$0x17F20] =	vst v63  }
0x83: {  	_ =	swait.ge [sflag:s31], $0x1400  }
0x84: {  	[sflag:s31] =	ssyncset.done $0x0  }
0x85: {  	s14 =	sadd.s32 $0x2760, s18;
	[sflag:s31] =	ssyncadd.s32 $0xFFFFEC00  }
0x86: {  	[spmem:s3] =	stream.indirect.scatter.add.f32 [tilespmem:s22], [sflag:$0x7], $0x40, s14, s20, $0xb8;
	[tilespmem:$0x17F20] =	vst v63  }
0x87: {  	_ = 	snop  }
0x88: {  	[spmem:s4] =	stream.indirect.scatter.add.f32 [tilespmem:s19], [sflag:$0xC], $0x10, s14, s20, $0xb8;
	[tilespmem:$0x17F20] =	vst v63  }
0x89: {  	_ =	swait.ge [sflag:s2], $0x1400  }
0x8a: {  	[sflag:s2] =	ssyncset.done $0x0  }
0x8b: {  	s14 =	sadd.s32 $0x27B0, s18;
	[sflag:s2] =	ssyncadd.s32 $0xFFFFEC00  }
0x8c: {  	[spmem:s3] =	stream.indirect.scatter.add.f32 [tilespmem:s24], [sflag:$0x8], $0x40, s14, s20, $0xb8;
	[tilespmem:$0x17F20] =	vst v63  }
0x8d: {  	_ = 	snop  }
0x8e: {  	[spmem:s4] =	stream.indirect.scatter.add.f32 [tilespmem:s19], [sflag:$0xD], $0x10, s14, s20, $0xb8;
	[tilespmem:$0x17F20] =	vst v63  }
0x8f: {  	_ =	swait.ge [sflag:s0], $0x1400  }
0x90: {  	[sflag:s0] =	ssyncset.done $0x0  }
0x91: {  	s14 =	sadd.s32 $0x2800, s18;
	[sflag:s0] =	ssyncadd.s32 $0xFFFFEC00  }
0x92: {  	[spmem:s3] =	stream.indirect.scatter.add.f32 [tilespmem:s26], [sflag:$0x9], $0x40, s14, s20, $0xb8;
	[tilespmem:$0x17F20] =	vst v63  }
0x93: {  	_ = 	snop  }
0x94: {  	[spmem:s4] =	stream.indirect.scatter.add.f32 [tilespmem:s19], [sflag:$0xE], $0x10, s14, s20, $0xb8;
	[tilespmem:$0x17F20] =	vst v63  }
0x95: {  	_ =	swait.ge [sflag:s17], $0x1400  }
0x96: {  	[sflag:s17] =	ssyncset.done $0x0  }
0x97: {  	s14 =	sadd.s32 $0x2850, s18;
	[sflag:s17] =	ssyncadd.s32 $0xFFFFEC00  }
0x98: {  	[spmem:s3] =	stream.indirect.scatter.add.f32 [tilespmem:s29], [sflag:$0xA], $0x40, s14, s20, $0xb8;
	[tilespmem:$0x17F20] =	vst v63  }
0x99: {  	_ = 	snop  }
0x9a: {  	[spmem:s4] =	stream.indirect.scatter.add.f32 [tilespmem:s19], [sflag:$0xF], $0x10, s14, s20, $0xb8;
	[tilespmem:$0x17F20] =	vst v63  }
0x9b: {  	_ =	swait.ge [sflag:s23], $0x1400  }
0x9c: {  	[sflag:s23] =	ssyncset.done $0x0  }
0x9d: {  	[sflag:s23] =	ssyncadd.s32 $0xFFFFEC00  }
0x9e: {  	_ =	swait.ge [sflag:s25], $0x500  }
0x9f: {  	[sflag:s25] =	ssyncset.done $0x0  }
0xa0: {  	s14 =	sadd.s32 $0x190, s18;
	[sflag:s25] =	ssyncadd.s32 $0xFFFFFB00  }
0xa1: {  	[tilespmem:s21], [sflag:$0x1] =	stream.indirect.gather [hbm4b:s1+s20], $0x40, s14, s20, $0xb8;
	[tilespmem:$0x17F20] =	vst v63  }
0xa2: {  	_ =	swait.ge [sflag:s28], $0x1400  }
0xa3: {  	[sflag:s28] =	ssyncset.done $0x0  }
0xa4: {  	[sflag:s28] =	ssyncadd.s32 $0xFFFFEC00  }
0xa5: {  	_ =	swait.ge [sflag:s6], $0x500  }
0xa6: {  	[sflag:s6] =	ssyncset.done $0x0  }
0xa7: {  	s14 =	sadd.s32 $0x1E0, s18;
	[sflag:s6] =	ssyncadd.s32 $0xFFFFFB00  }
0xa8: {  	[tilespmem:s22], [sflag:$0x2] =	stream.indirect.gather [hbm4b:s1+s20], $0x40, s14, s20, $0xb8;
	[tilespmem:$0x17F20] =	vst v63  }
0xa9: {  	_ =	swait.ge [sflag:s7], $0x1400  }
0xaa: {  	[sflag:s7] =	ssyncset.done $0x0  }
0xab: {  	[sflag:s7] =	ssyncadd.s32 $0xFFFFEC00  }
0xac: {  	_ =	swait.ge [sflag:s9], $0x500  }
0xad: {  	[sflag:s9] =	ssyncset.done $0x0  }
0xae: {  	s14 =	sadd.s32 $0x230, s18;
	[sflag:s9] =	ssyncadd.s32 $0xFFFFFB00  }
0xaf: {  	[tilespmem:s24], [sflag:$0x3] =	stream.indirect.gather [hbm4b:s1+s20], $0x40, s14, s20, $0xb8;
	[tilespmem:$0x17F20] =	vst v63  }
0xb0: {  	_ =	swait.ge [sflag:s10], $0x1400  }
0xb1: {  	[sflag:s10] =	ssyncset.done $0x0  }
0xb2: {  	[sflag:s10] =	ssyncadd.s32 $0xFFFFEC00  }
0xb3: {  	_ =	swait.ge [sflag:s11], $0x500  }
0xb4: {  	[sflag:s11] =	ssyncset.done $0x0  }
0xb5: {  	s14 =	sadd.s32 $0x280, s18;
	[sflag:s11] =	ssyncadd.s32 $0xFFFFFB00  }
0xb6: {  	[tilespmem:s26], [sflag:$0x4] =	stream.indirect.gather [hbm4b:s1+s20], $0x40, s14, s20, $0xb8;
	[tilespmem:$0x17F20] =	vst v63  }
0xb7: {  	_ =	swait.ge [sflag:s12], $0x1400  }
.Ltmp0:
0xb8: {  	[sflag:s12] =	ssyncset.done $0x0;
	(pc) =	sbr.rel @p0 .LBB2_2-.Ltmp0, $4  }
0xb9: {  	[sflag:s12] =	ssyncadd.s32 $0xFFFFEC00  }
0xba: {  	_ =	swait.ge [sflag:s13], $0x500  }
0xbb: {  	[sflag:s13] =	ssyncset.done $0x0  }
0xbc: {  	s18 =	sadd.s32 $0x2D0, s18;
	[sflag:s13] =	ssyncadd.s32 $0xFFFFFB00  }
0xbd: {  	[tilespmem:s29], [sflag:$0x5] =	stream.indirect.gather [hbm4b:s1+s20], $0x40, s18, s20, $0xb8;
	[tilespmem:$0x17F20] =	vst v63  }
0xbe: {  	_ =	swait.ge [sflag:s30], $0x1400  }
0xbf: {  	s15 =	sshra.s32 s15, $0x2;
	[sflag:s30] =	ssyncset.done $0x0  }
0xc0: {  	s14 =	sadd.s32 $0x2710, s15;
	[sflag:s30] =	ssyncadd.s32 $0xFFFFEC00  }
0xc1: {  	[spmem:s3] =	stream.indirect.scatter.add.f32 [tilespmem:s21], [sflag:$0x6], $0x40, s14, s20, $0xb8;
	[tilespmem:$0x17F20] =	vst v63  }
0xc2: {  	_ = 	snop  }
0xc3: {  	[spmem:s4] =	stream.indirect.scatter.add.f32 [tilespmem:s19], [sflag:$0xB], $0x10, s14, s20, $0xb8;
	[tilespmem:$0x17F20] =	vst v63  }
0xc4: {  	_ =	swait.ge [sflag:s31], $0x1400  }
0xc5: {  	[sflag:s31] =	ssyncset.done $0x0  }
0xc6: {  	s5 =	sadd.s32 $0x2760, s15;
	[sflag:s31] =	ssyncadd.s32 $0xFFFFEC00  }
0xc7: {  	[spmem:s3] =	stream.indirect.scatter.add.f32 [tilespmem:s22], [sflag:$0x7], $0x40, s5, s20, $0xb8;
	[tilespmem:$0x17F20] =	vst v63  }
0xc8: {  	_ = 	snop  }
0xc9: {  	[spmem:s4] =	stream.indirect.scatter.add.f32 [tilespmem:s19], [sflag:$0xC], $0x10, s5, s20, $0xb8;
	[tilespmem:$0x17F20] =	vst v63  }
0xca: {  	_ =	swait.ge [sflag:s2], $0x1400  }
0xcb: {  	[sflag:s2] =	ssyncset.done $0x0  }
0xcc: {  	s18 =	sadd.s32 $0x27B0, s15;
	[sflag:s2] =	ssyncadd.s32 $0xFFFFEC00  }
0xcd: {  	[spmem:s3] =	stream.indirect.scatter.add.f32 [tilespmem:s24], [sflag:$0x8], $0x40, s18, s20, $0xb8;
	[tilespmem:$0x17F20] =	vst v63  }
0xce: {  	_ = 	snop  }
0xcf: {  	[spmem:s4] =	stream.indirect.scatter.add.f32 [tilespmem:s19], [sflag:$0xD], $0x10, s18, s20, $0xb8;
	[tilespmem:$0x17F20] =	vst v63  }
0xd0: {  	_ =	swait.ge [sflag:s0], $0x1400  }
0xd1: {  	[sflag:s0] =	ssyncset.done $0x0  }
0xd2: {  	s5 =	sadd.s32 $0x2800, s15;
	[sflag:s0] =	ssyncadd.s32 $0xFFFFEC00  }
0xd3: {  	[spmem:s3] =	stream.indirect.scatter.add.f32 [tilespmem:s26], [sflag:$0x9], $0x40, s5, s20, $0xb8;
	[tilespmem:$0x17F20] =	vst v63  }
0xd4: {  	_ = 	snop  }
0xd5: {  	[spmem:s4] =	stream.indirect.scatter.add.f32 [tilespmem:s19], [sflag:$0xE], $0x10, s5, s20, $0xb8;
	[tilespmem:$0x17F20] =	vst v63  }
0xd6: {  	_ =	swait.ge [sflag:s17], $0x1400  }
0xd7: {  	[sflag:s17] =	ssyncset.done $0x0  }
0xd8: {  	s18 =	sadd.s32 $0x2850, s15;
	[sflag:s17] =	ssyncadd.s32 $0xFFFFEC00  }
0xd9: {  	[spmem:s3] =	stream.indirect.scatter.add.f32 [tilespmem:s29], [sflag:$0xA], $0x40, s18, s20, $0xb8;
	[tilespmem:$0x17F20] =	vst v63  }
0xda: {  	_ = 	snop  }
0xdb: {  	[spmem:s4] =	stream.indirect.scatter.add.f32 [tilespmem:s19], [sflag:$0xF], $0x10, s18, s20, $0xb8;
	[tilespmem:$0x17F20] =	vst v63  }
0xdc: {  	_ =	swait.ge [sflag:s23], $0x1400  }
0xdd: {  	[sflag:s23] =	ssyncset.done $0x0  }
0xde: {  	[sflag:s23] =	ssyncadd.s32 $0xFFFFEC00  }
0xdf: {  	_ =	swait.ge [sflag:s25], $0x500  }
0xe0: {  	[sflag:s25] =	ssyncset.done $0x0  }
0xe1: {  	s5 =	sadd.s32 $0x190, s15;
	[sflag:s25] =	ssyncadd.s32 $0xFFFFFB00  }
0xe2: {  	[tilespmem:s21], [sflag:$0x1] =	stream.indirect.gather [hbm4b:s1+s20], $0x40, s5, s20, $0xb8;
	[tilespmem:$0x17F20] =	vst v63  }
0xe3: {  	_ =	swait.ge [sflag:s28], $0x1400  }
0xe4: {  	[sflag:s28] =	ssyncset.done $0x0  }
0xe5: {  	[sflag:s28] =	ssyncadd.s32 $0xFFFFEC00  }
0xe6: {  	_ =	swait.ge [sflag:s6], $0x500  }
0xe7: {  	[sflag:s6] =	ssyncset.done $0x0  }
0xe8: {  	s18 =	sadd.s32 $0x1E0, s15;
	[sflag:s6] =	ssyncadd.s32 $0xFFFFFB00  }
0xe9: {  	[tilespmem:s22], [sflag:$0x2] =	stream.indirect.gather [hbm4b:s1+s20], $0x40, s18, s20, $0xb8;
	[tilespmem:$0x17F20] =	vst v63  }
0xea: {  	_ =	swait.ge [sflag:s7], $0x1400  }
0xeb: {  	[sflag:s7] =	ssyncset.done $0x0  }
0xec: {  	[sflag:s7] =	ssyncadd.s32 $0xFFFFEC00  }
0xed: {  	_ =	swait.ge [sflag:s9], $0x500  }
0xee: {  	[sflag:s9] =	ssyncset.done $0x0  }
0xef: {  	s5 =	sadd.s32 $0x230, s15;
	[sflag:s9] =	ssyncadd.s32 $0xFFFFFB00  }
0xf0: {  	[tilespmem:s24], [sflag:$0x3] =	stream.indirect.gather [hbm4b:s1+s20], $0x40, s5, s20, $0xb8;
	[tilespmem:$0x17F20] =	vst v63  }
0xf1: {  	_ =	swait.ge [sflag:s10], $0x1400  }
0xf2: {  	[sflag:s10] =	ssyncset.done $0x0  }
0xf3: {  	[sflag:s10] =	ssyncadd.s32 $0xFFFFEC00  }
0xf4: {  	_ =	swait.ge [sflag:s11], $0x500  }
0xf5: {  	[sflag:s11] =	ssyncset.done $0x0  }
0xf6: {  	s18 =	sadd.s32 $0x280, s15;
	[sflag:s11] =	ssyncadd.s32 $0xFFFFFB00  }
0xf7: {  	[tilespmem:s26], [sflag:$0x4] =	stream.indirect.gather [hbm4b:s1+s20], $0x40, s18, s20, $0xb8;
	[tilespmem:$0x17F20] =	vst v63  }
0xf8: {  	_ =	swait.ge [sflag:s12], $0x1400  }
0xf9: {  	[sflag:s12] =	ssyncset.done $0x0  }
0xfa: {  	[sflag:s12] =	ssyncadd.s32 $0xFFFFEC00  }
0xfb: {  	_ =	swait.ge [sflag:s13], $0x500  }
0xfc: {  	[sflag:s13] =	ssyncset.done $0x0  }
0xfd: {  	s5 =	sadd.s32 $0x2D0, s15;
	[sflag:s13] =	ssyncadd.s32 $0xFFFFFB00  }
0xfe: {  	[tilespmem:s29], [sflag:$0x5] =	stream.indirect.gather [hbm4b:s1+s20], $0x40, s5, s20, $0xb8;
	[tilespmem:$0x17F20] =	vst v63  }
0xff: {  	_ =	swait.ge [sflag:s30], $0x1400  }
0x100: {  	[sflag:s30] =	ssyncset.done $0x0  }
0x101: {  	s5 =	simm.s32 $0x4C90;
	[sflag:s30] =	ssyncadd.s32 $0xFFFFEC00  }
0x102: {  	[spmem:s3] =	stream.indirect.scatter.add.f32 [tilespmem:s21], [sflag:$0x6], $0x40, s5, s20, $0xb8;
	[tilespmem:$0x17F20] =	vst v63  }
0x103: {  	_ = 	snop  }
0x104: {  	[spmem:s4] =	stream.indirect.scatter.add.f32 [tilespmem:s19], [sflag:$0xB], $0x10, s5, s20, $0xb8;
	[tilespmem:$0x17F20] =	vst v63  }
0x105: {  	_ =	swait.ge [sflag:s31], $0x1400  }
0x106: {  	[sflag:s31] =	ssyncset.done $0x0  }
0x107: {  	s14 =	simm.s32 $0x4CE0;
	[sflag:s31] =	ssyncadd.s32 $0xFFFFEC00  }
0x108: {  	[spmem:s3] =	stream.indirect.scatter.add.f32 [tilespmem:s22], [sflag:$0x7], $0x40, s14, s20, $0xb8;
	[tilespmem:$0x17F20] =	vst v63  }
0x109: {  	_ = 	snop  }
0x10a: {  	[spmem:s4] =	stream.indirect.scatter.add.f32 [tilespmem:s19], [sflag:$0xC], $0x10, s14, s20, $0xb8;
	[tilespmem:$0x17F20] =	vst v63  }
0x10b: {  	_ =	swait.ge [sflag:s2], $0x1400  }
0x10c: {  	[sflag:s2] =	ssyncset.done $0x0  }
0x10d: {  	s15 =	simm.s32 $0x4D30;
	[sflag:s2] =	ssyncadd.s32 $0xFFFFEC00  }
0x10e: {  	[spmem:s3] =	stream.indirect.scatter.add.f32 [tilespmem:s24], [sflag:$0x8], $0x40, s15, s20, $0xb8;
	[tilespmem:$0x17F20] =	vst v63  }
0x10f: {  	_ = 	snop  }
0x110: {  	[spmem:s4] =	stream.indirect.scatter.add.f32 [tilespmem:s19], [sflag:$0xD], $0x10, s15, s20, $0xb8;
	[tilespmem:$0x17F20] =	vst v63  }
0x111: {  	_ =	swait.ge [sflag:s0], $0x1400  }
0x112: {  	[sflag:s0] =	ssyncset.done $0x0  }
0x113: {  	s18 =	simm.s32 $0x4D80;
	[sflag:s0] =	ssyncadd.s32 $0xFFFFEC00  }
0x114: {  	[spmem:s3] =	stream.indirect.scatter.add.f32 [tilespmem:s26], [sflag:$0x9], $0x40, s18, s20, $0xb8;
	[tilespmem:$0x17F20] =	vst v63  }
0x115: {  	_ = 	snop  }
0x116: {  	[spmem:s4] =	stream.indirect.scatter.add.f32 [tilespmem:s19], [sflag:$0xE], $0x10, s18, s20, $0xb8;
	[tilespmem:$0x17F20] =	vst v63  }
0x117: {  	_ =	swait.ge [sflag:s17], $0x1400  }
0x118: {  	[sflag:s17] =	ssyncset.done $0x0  }
0x119: {  	s14 =	simm.s32 $0x4DD0;
	[sflag:s17] =	ssyncadd.s32 $0xFFFFEC00  }
0x11a: {  	[spmem:s3] =	stream.indirect.scatter.add.f32 [tilespmem:s29], [sflag:$0xA], $0x40, s14, s20, $0xb8;
	[tilespmem:$0x17F20] =	vst v63  }
0x11b: {  	_ = 	snop  }
0x11c: {  	[spmem:s4] =	stream.indirect.scatter.add.f32 [tilespmem:s19], [sflag:$0xF], $0x10, s14, s20, $0xb8;
	[tilespmem:$0x17F20] =	vst v63  }
0x11d: {  	_ =	swait.ge [sflag:s23], $0x1400  }
0x11e: {  	[sflag:s23] =	ssyncset.done $0x0  }
0x11f: {  	[sflag:s23] =	ssyncadd.s32 $0xFFFFEC00  }
0x120: {  	_ =	swait.ge [sflag:s25], $0x500  }
0x121: {  	[sflag:s25] =	ssyncset.done $0x0  }
0x122: {  	s15 =	simm.s32 $0x26C0;
	[sflag:s25] =	ssyncadd.s32 $0xFFFFFB00  }
0x123: {  	[tilespmem:s21], [sflag:$0x1] =	stream.indirect.gather [hbm4b:s1+s20], $0x40, s15, s20, $0xb8;
	[tilespmem:$0x17F20] =	vst v63  }
0x124: {  	_ =	swait.ge [sflag:s28], $0x1400  }
0x125: {  	[sflag:s28] =	ssyncset.done $0x0  }
0x126: {  	[sflag:s28] =	ssyncadd.s32 $0xFFFFEC00  }
0x127: {  	_ =	swait.ge [sflag:s6], $0x500  }
0x128: {  	[sflag:s6] =	ssyncset.done $0x0  }
0x129: {  	[sflag:s6] =	ssyncadd.s32 $0xFFFFFB00  }
0x12a: {  	[tilespmem:s22], [sflag:$0x2] =	stream.indirect.gather [hbm4b:s1+s20], $0x40, s15, s20, $0xb8;
	[tilespmem:$0x17F20] =	vst v63  }
0x12b: {  	_ =	swait.ge [sflag:s7], $0x1400  }
0x12c: {  	[sflag:s7] =	ssyncset.done $0x0  }
0x12d: {  	[sflag:s7] =	ssyncadd.s32 $0xFFFFEC00  }
0x12e: {  	_ =	swait.ge [sflag:s9], $0x500  }
0x12f: {  	[sflag:s9] =	ssyncset.done $0x0  }
0x130: {  	[sflag:s9] =	ssyncadd.s32 $0xFFFFFB00  }
0x131: {  	[tilespmem:s24], [sflag:$0x3] =	stream.indirect.gather [hbm4b:s1+s20], $0x40, s15, s20, $0xb8;
	[tilespmem:$0x17F20] =	vst v63  }
0x132: {  	_ =	swait.ge [sflag:s10], $0x1400  }
0x133: {  	[sflag:s10] =	ssyncset.done $0x0  }
0x134: {  	[sflag:s10] =	ssyncadd.s32 $0xFFFFEC00  }
0x135: {  	_ =	swait.ge [sflag:s11], $0x500  }
0x136: {  	[sflag:s11] =	ssyncset.done $0x0  }
0x137: {  	[sflag:s11] =	ssyncadd.s32 $0xFFFFFB00  }
0x138: {  	[tilespmem:s26], [sflag:$0x4] =	stream.indirect.gather [hbm4b:s1+s20], $0x40, s15, s20, $0xb8;
	[tilespmem:$0x17F20] =	vst v63  }
0x139: {  	_ =	swait.ge [sflag:s12], $0x1400  }
0x13a: {  	[sflag:s12] =	ssyncset.done $0x0  }
0x13b: {  	[sflag:s12] =	ssyncadd.s32 $0xFFFFEC00  }
0x13c: {  	_ =	swait.ge [sflag:s13], $0x500  }
0x13d: {  	[sflag:s13] =	ssyncset.done $0x0  }
0x13e: {  	[sflag:s13] =	ssyncadd.s32 $0xFFFFFB00  }
0x13f: {  	[tilespmem:s29], [sflag:$0x5] =	stream.indirect.gather [hbm4b:s1+s20], $0x40, s15, s20, $0xb8;
	[tilespmem:$0x17F20] =	vst v63  }
0x140: {  	_ =	swait.ge [sflag:s30], $0x1400  }
0x141: {  	[sflag:s30] =	ssyncset.done $0x0  }
0x142: {  	[sflag:s30] =	ssyncadd.s32 $0xFFFFEC00  }
0x143: {  	_ =	swait.ge [sflag:s31], $0x1400  }
0x144: {  	[sflag:s31] =	ssyncset.done $0x0  }
0x145: {  	[sflag:s31] =	ssyncadd.s32 $0xFFFFEC00  }
0x146: {  	_ =	swait.ge [sflag:s2], $0x1400  }
0x147: {  	[sflag:s2] =	ssyncset.done $0x0  }
0x148: {  	[sflag:s2] =	ssyncadd.s32 $0xFFFFEC00  }
0x149: {  	_ =	swait.ge [sflag:s0], $0x1400  }
0x14a: {  	[sflag:s0] =	ssyncset.done $0x0  }
0x14b: {  	[sflag:s0] =	ssyncadd.s32 $0xFFFFEC00  }
0x14c: {  	_ =	swait.ge [sflag:s17], $0x1400  }
0x14d: {  	[sflag:s17] =	ssyncset.done $0x0  }
0x14e: {  	[sflag:s17] =	ssyncadd.s32 $0xFFFFEC00  }
0x14f: {  	[bflag:$0x0] =	sbarrier.arrive $0xFFFF  }
0x150: {  	s18 =	rddreg [dreg:$0xa]  }
0x151: {  	s15 =	rddreg [dreg:$0xd]  }
0x152: {  	[hbm:s18], [sflag:s8] =	dma.local [spmem:s15], $0x1400  }
0x153: {  	_ =	swait.ge [sflag:s16], $0x1400  }
0x154: {  	[sflag:s16] =	ssyncset.done $0x0;
	s5 =	rddreg [dreg:$0xb]  }
0x155: {  	s18 =	rddreg [dreg:$0xe];
	[sflag:s16] =	ssyncadd.s32 $0xFFFFEC00  }
0x156: {  	[hbm:s5], [sflag:s8] =	dma.local [spmem:s18], $0x500  }
0x157: {  	_ =	swait.ge [sflag:s16], $0x500  }
0x158: {  	s14 =	rddreg [dreg:$0xf]  }
0x159: {  	s5 =	sadd.s32 $0x1, s14;
	s14 =	rddreg [dreg:$0xc]  }
0x15a: {  	p0 =	sne.s32 s5, s14  }
.Ltmp1:
0x15b: {  	_ = 	snop;
	(pc) =	sbr.rel @p0 .LBB2_1-.Ltmp1, $3  }
0x15c: {  	_ =	sdelay $0x1  }
0x15d: {  	[sflag:s16] =	ssyncset.done $0x0  }
0x15e: {  	[sflag:s16] =	ssyncadd.s32 $0xFFFFFB00  }
0x15f: {  	_ =	sfence.sel $0x180000  }
0x160: {  	[bflag:$0x0] =	sbarrier.arrive $0xFFFF  }
0x161: {  	_ =	strace $0x90000047  }
0x162: {  	s0 =	stileid.u32;
	[bflag:$0x2] =	sbarrier.arrive $0xFFFF  }
0x163: {  	p0 =	sne.s32 s0, $0x0;
	s0 =	rddreg [dreg:$0x4]  }
0x164: {  	s0 =	sadd.s32 @!p0 $0x100000, s0  }
0x165: {  	[sflag:s0] =	ssyncadd.tile.s32 @!p0 $0x1;
	_ =	shalt  }
.Lfunc_end2:
_tile_overlayer_lowered:
.L_overlay_start_2:
0x166: {  	(tag) =	ssettag $0x2  }
0x167: {  	s0 =	rddreg [dreg:$0x0];
	s2 =	stileid.u32  }
0x168: {  	s1 =	rddreg [dreg:$0x1];
	p0 =	sne.s32 s2, $0x0  }
0x169: {  	s3 =	rddreg [dreg:$0x2];
	[bflag:$0x3] =	sbarrier.arrive $0xFFFF;
	s2 =	simm.s32 @!p0 $0x1C10  }
0x16a: {  	[timem:s3], [sflag:s2] =	dma.local @!p0 [hbm:s0], s1  }
0x16b: {  	s0 =	simm.s32 @!p0 $0x10  }
0x16c: {  	_ =	swait.ge @!p0 [sflag:s0], s1  }
0x16d: {  	s1 =	ssub.s32 @!p0 $0x0, s1;
	[sflag:s0] =	ssyncset.done @!p0 $0x0  }
0x16e: {  	[sflag:s0] =	ssyncadd.s32 @!p0 s1  }
0x16f: {  	[bflag:$0x3] =	sbarrier.arrive $0xFFFF  }
0x170: {  	_ =	shalt  }

</sc_bundles>
